<compile_context>
chip_gen: v7x
topology: tpu7x:2x2x1
jax: 0.10.2.dev20260603
libtpu: 0.0.44.dev20260713+nightly
codegen_flags: <defaults>
</compile_context>

<pallas_src>
import functools

import jax
import jax.numpy as jnp
from jax import lax
from jax.experimental import pallas as pl
from jax.experimental.pallas import tpu as pltpu
from jax.experimental.pallas import tpu_sc as plsc

VOCAB = 1000000
DIM = 64
NUM_CORES = 2
NUM_SUBCORES = 16
NW = NUM_CORES * NUM_SUBCORES
GRP = 128


def _make_gather(n_tokens: int):
    per_w = n_tokens // NW
    n_grp = per_w // GRP
    mesh = plsc.VectorSubcoreMesh(core_axis_name="c", subcore_axis_name="s")

    @functools.partial(
        pl.kernel,
        mesh=mesh,
        out_type=jax.ShapeDtypeStruct((n_tokens, DIM), jnp.float32),
        scratch_types=[
            pltpu.VMEM((per_w,), jnp.int32),
            [pltpu.VMEM((GRP,), jnp.int32) for _ in range(2)],
            [pltpu.VMEM((GRP,), jnp.int32) for _ in range(2)],
            [pltpu.VMEM((GRP, 2 * DIM), jnp.float32) for _ in range(2)],
            [pltpu.VMEM((GRP, DIM), jnp.float32) for _ in range(2)],
            [pltpu.SemaphoreType.DMA for _ in range(2)],
            [pltpu.SemaphoreType.DMA for _ in range(2)],
        ],
        compiler_params=pltpu.CompilerParams(
            use_tc_tiling_on_sc=True, needs_layout_passes=False
        ),
    )
    def kgat(xf, tab, out, ixbuf, qbuf, hbuf, stag, tbuf, gsem, wsem):
        wid = lax.axis_index("s") * NUM_CORES + lax.axis_index("c")
        base = wid * per_w
        iota = lax.iota(jnp.int32, 16)

        pltpu.sync_copy(xf.at[pl.ds(base, per_w)], ixbuf)

        def prep(g, b):
            for j in range(8):
                ids = ixbuf[pl.ds(g * GRP + j * 16, 16)]
                qbuf[b][pl.ds(j * 16, 16)] = lax.shift_right_logical(ids, 1)
                hbuf[b][pl.ds(j * 16, 16)] = lax.shift_left(
                    lax.bitwise_and(ids, 1), 6
                )

        def fire_gather(b):
            pltpu.async_copy(tab.at[qbuf[b]], stag[b], gsem[b])

        def wait_gather(b):
            pltpu.make_async_copy(tab.at[qbuf[b]], stag[b], gsem[b]).wait()

        def drain_write(b):
            pltpu.make_async_copy(
                tbuf[b], out.at[pl.ds(0, GRP)], wsem[b]
            ).wait()

        def extract(b):
            @plsc.parallel_loop(0, GRP, unroll=4)
            def _(k):
                ksplat = jnp.broadcast_to(k, (16,))
                hv = plsc.load_gather(hbuf[b], [ksplat])
                for c in range(DIM // 16):
                    idx = hv + (c * 16 + iota)
                    vals = plsc.load_gather(stag[b], [ksplat, idx])
                    tbuf[b][k, pl.ds(c * 16, 16)] = vals

        def fire_write(g, b):
            pltpu.async_copy(
                tbuf[b], out.at[pl.ds(base + g * GRP, GRP)], wsem[b]
            )

        prep(0, 0)
        fire_gather(0)

        def body2(i2, carry):
            for b in (0, 1):
                g = i2 * 2 + b

                @pl.when(g + 1 < n_grp)
                def _():
                    prep(g + 1, 1 - b)
                    fire_gather(1 - b)

                wait_gather(b)

                @pl.when(g >= 2)
                def _():
                    drain_write(b)

                extract(b)
                fire_write(g, b)

            return carry

        lax.fori_loop(0, n_grp // 2, body2, 0)
        drain_write(0)
        drain_write(1)

    return kgat


def kernel(x, table):
    batch, seq = x.shape
    n_tokens = batch * seq
    tab2 = table.reshape(VOCAB // 2, 2 * DIM)
    xf = x.reshape(n_tokens).astype(jnp.int32)
    out = _make_gather(n_tokens)(xf, tab2)
    return out.reshape(batch, seq, DIM)

# --- scband reference (transcript-rebuilt; emitter-appended) ---
"""Pipeline reference for scband-token-embedding-8005819039744 (READ-ONLY COPY).

The authoritative reference and input builder live on the scoring server;
editing this copy changes nothing except your own understanding.
"""

import jax, jax.numpy as jnp
import numpy as np

VOCAB = 1000000
DIM = 64
BATCH = 4096
SEQ = 200


def setup_inputs(seed: int = 0) -> dict:
    key = jax.random.key(seed)
    k1, k2 = jax.random.split(key)
    x = jax.random.randint(k1, (BATCH, SEQ), 0, VOCAB, dtype=jnp.int64 if jax.config.jax_enable_x64 else jnp.int32)
    # nn.Embedding default init: N(0, 1)
    table = jax.random.normal(k2, (VOCAB, DIM), dtype=jnp.float32)
    return {"x": x, "table": table}


def reference(x, table):
    # TokenEmbedding.forward: self.embedding(x) -> gather rows of the table
    return jnp.take(table, x, axis=0)

if __name__ == "__main__":
    import jax
    _d = setup_inputs()
    print(jax.jit(kernel)(*tuple(_d.values())))

</pallas_src>

<mosaic_0001>
#map = affine_map<(d0, d1) -> (0)>
#map1 = affine_map<(d0, d1) -> (0, 0)>
module attributes {stable_mosaic.version = 14 : i64} {
  func.func @kgat(%arg0: i32, %arg1: i32, %arg2: memref<819200xi32, #tpu.memory_space<hbm>>, %arg3: memref<500000x128xf32, #tpu.memory_space<hbm>>, %arg4: memref<819200x64xf32, #tpu.memory_space<hbm>>, %arg5: memref<25600xi32, #tpu.memory_space<vmem>>, %arg6: memref<128xi32, #tpu.memory_space<vmem>>, %arg7: memref<128xi32, #tpu.memory_space<vmem>>, %arg8: memref<128xi32, #tpu.memory_space<vmem>>, %arg9: memref<128xi32, #tpu.memory_space<vmem>>, %arg10: memref<128x128xf32, #tpu.memory_space<vmem>>, %arg11: memref<128x128xf32, #tpu.memory_space<vmem>>, %arg12: memref<128x64xf32, #tpu.memory_space<vmem>>, %arg13: memref<128x64xf32, #tpu.memory_space<vmem>>, %arg14: memref<!tpu.dma_semaphore, #tpu.memory_space<semaphore_mem>>, %arg15: memref<!tpu.dma_semaphore, #tpu.memory_space<semaphore_mem>>, %arg16: memref<!tpu.dma_semaphore, #tpu.memory_space<semaphore_mem>>, %arg17: memref<!tpu.dma_semaphore, #tpu.memory_space<semaphore_mem>>) attributes {dimension_semantics = [#tpu.dimension_semantics<core_parallel>, #tpu.dimension_semantics<subcore_parallel>], iteration_bounds = array<i64: 2, 16>, scalar_prefetch = 0 : i64, scratch_operands = 13 : i64, tpu.core_type = #tpu.core_type<sc_vector_subcore>, window_params = [{transform_indices = #map}, {transform_indices = #map1}, {transform_indices = #map1}]} {
    %mul3A = arith.constant 2 : i32
    %mul3A_0 = arith.muli %arg1, %mul3A : i32
    %add3A = arith.addi %mul3A_0, %arg0 : i32
    %mul3A_1 = arith.constant 25600 : i32
    %mul3A_2 = arith.muli %add3A, %mul3A_1 : i32
    %iota3A = tpu.iota {dimensions = array<i32: 0>} : vector<16xi32>
    "tpu.region"() ({
      %run_scoped3A = tpu.sem_alloc : memref<!tpu.dma_semaphore, #tpu.memory_space<semaphore_mem>>
      %dma_start3A_136 = tpu.memref_slice %arg2[%mul3A_2] : memref<819200xi32, #tpu.memory_space<hbm>> -> memref<25600xi32, #tpu.memory_space<hbm>>
      %dma_start3A_137 = tpu.memref_slice %arg2[%mul3A_2] : memref<819200xi32, #tpu.memory_space<hbm>> -> memref<25600xi32, #tpu.memory_space<hbm>>
      tpu.enqueue_dma source(%dma_start3A_137 : memref<25600xi32, #tpu.memory_space<hbm>>) target(%arg5 : memref<25600xi32, #tpu.memory_space<vmem>>) target_semaphore(%run_scoped3A : memref<!tpu.dma_semaphore, #tpu.memory_space<semaphore_mem>>)
      %dma_wait3A_138 = tpu.memref_slice %arg2[%mul3A_2] : memref<819200xi32, #tpu.memory_space<hbm>> -> memref<25600xi32, #tpu.memory_space<hbm>>
      %dma_wait3A_139 = tpu.memref_slice %arg2[%mul3A_2] : memref<819200xi32, #tpu.memory_space<hbm>> -> memref<25600xi32, #tpu.memory_space<hbm>>
      tpu.wait_dma2 semaphore(%run_scoped3A : memref<!tpu.dma_semaphore, #tpu.memory_space<semaphore_mem>>) src(%dma_wait3A_139 : memref<25600xi32, #tpu.memory_space<hbm>>) dst(%arg5 : memref<25600xi32, #tpu.memory_space<vmem>>)
      tpu.yield
    }) : () -> ()
    %get3A = arith.constant 0 : index
    %get3A_3 = tpu.vector_load %arg5[%get3A] {strides = array<i32>} : memref<25600xi32, #tpu.memory_space<vmem>>, vector<16xi32>,
    %shift_right_logical3A = arith.constant 1 : i32
    %shift_right_logical3A_4 = vector.broadcast %shift_right_logical3A : i32 to vector<16xi32>
    %shift_right_logical3A_5 = arith.shrui %get3A_3, %shift_right_logical3A_4 : vector<16xi32>
    %swap3A = arith.constant 0 : index
    %swap3A_6 = tpu.vector_load %arg6[%swap3A] {strides = array<i32>} : memref<128xi32, #tpu.memory_space<vmem>>, vector<16xi32>,
    tpu.vector_store %arg6[%swap3A], %shift_right_logical3A_5 {strides = array<i32>} : memref<128xi32, #tpu.memory_space<vmem>>, vector<16xi32>,
    %and3A = arith.constant 1 : i32
    %and3A_7 = vector.broadcast %and3A : i32 to vector<16xi32>
    %and3A_8 = arith.andi %get3A_3, %and3A_7 : vector<16xi32>
    %shift_left3A = arith.constant 6 : i32
    %shift_left3A_9 = vector.broadcast %shift_left3A : i32 to vector<16xi32>
    %shift_left3A_10 = arith.shli %and3A_8, %shift_left3A_9 : vector<16xi32>
    %swap3A_11 = arith.constant 0 : index
    %swap3A_12 = tpu.vector_load %arg8[%swap3A_11] {strides = array<i32>} : memref<128xi32, #tpu.memory_space<vmem>>, vector<16xi32>,
    tpu.vector_store %arg8[%swap3A_11], %shift_left3A_10 {strides = array<i32>} : memref<128xi32, #tpu.memory_space<vmem>>, vector<16xi32>,
    %get3A_13 = arith.constant 16 : index
    %get3A_14 = tpu.vector_load %arg5[%get3A_13] {strides = array<i32>} : memref<25600xi32, #tpu.memory_space<vmem>>, vector<16xi32>,
    %shift_right_logical3A_15 = arith.constant 1 : i32
    %shift_right_logical3A_16 = vector.broadcast %shift_right_logical3A_15 : i32 to vector<16xi32>
    %shift_right_logical3A_17 = arith.shrui %get3A_14, %shift_right_logical3A_16 : vector<16xi32>
    %swap3A_18 = arith.constant 16 : index
    %swap3A_19 = tpu.vector_load %arg6[%swap3A_18] {strides = array<i32>} : memref<128xi32, #tpu.memory_space<vmem>>, vector<16xi32>,
    tpu.vector_store %arg6[%swap3A_18], %shift_right_logical3A_17 {strides = array<i32>} : memref<128xi32, #tpu.memory_space<vmem>>, vector<16xi32>,
    %and3A_20 = arith.constant 1 : i32
    %and3A_21 = vector.broadcast %and3A_20 : i32 to vector<16xi32>
    %and3A_22 = arith.andi %get3A_14, %and3A_21 : vector<16xi32>
    %shift_left3A_23 = arith.constant 6 : i32
    %shift_left3A_24 = vector.broadcast %shift_left3A_23 : i32 to vector<16xi32>
    %shift_left3A_25 = arith.shli %and3A_22, %shift_left3A_24 : vector<16xi32>
    %swap3A_26 = arith.constant 16 : index
    %swap3A_27 = tpu.vector_load %arg8[%swap3A_26] {strides = array<i32>} : memref<128xi32, #tpu.memory_space<vmem>>, vector<16xi32>,
    tpu.vector_store %arg8[%swap3A_26], %shift_left3A_25 {strides = array<i32>} : memref<128xi32, #tpu.memory_space<vmem>>, vector<16xi32>,
    %get3A_28 = arith.constant 32 : index
    %get3A_29 = tpu.vector_load %arg5[%get3A_28] {strides = array<i32>} : memref<25600xi32, #tpu.memory_space<vmem>>, vector<16xi32>,
    %shift_right_logical3A_30 = arith.constant 1 : i32
    %shift_right_logical3A_31 = vector.broadcast %shift_right_logical3A_30 : i32 to vector<16xi32>
    %shift_right_logical3A_32 = arith.shrui %get3A_29, %shift_right_logical3A_31 : vector<16xi32>
    %swap3A_33 = arith.constant 32 : index
    %swap3A_34 = tpu.vector_load %arg6[%swap3A_33] {strides = array<i32>} : memref<128xi32, #tpu.memory_space<vmem>>, vector<16xi32>,
    tpu.vector_store %arg6[%swap3A_33], %shift_right_logical3A_32 {strides = array<i32>} : memref<128xi32, #tpu.memory_space<vmem>>, vector<16xi32>,
    %and3A_35 = arith.constant 1 : i32
    %and3A_36 = vector.broadcast %and3A_35 : i32 to vector<16xi32>
    %and3A_37 = arith.andi %get3A_29, %and3A_36 : vector<16xi32>
    %shift_left3A_38 = arith.constant 6 : i32
    %shift_left3A_39 = vector.broadcast %shift_left3A_38 : i32 to vector<16xi32>
    %shift_left3A_40 = arith.shli %and3A_37, %shift_left3A_39 : vector<16xi32>
    %swap3A_41 = arith.constant 32 : index
    %swap3A_42 = tpu.vector_load %arg8[%swap3A_41] {strides = array<i32>} : memref<128xi32, #tpu.memory_space<vmem>>, vector<16xi32>,
    tpu.vector_store %arg8[%swap3A_41], %shift_left3A_40 {strides = array<i32>} : memref<128xi32, #tpu.memory_space<vmem>>, vector<16xi32>,
    %get3A_43 = arith.constant 48 : index
    %get3A_44 = tpu.vector_load %arg5[%get3A_43] {strides = array<i32>} : memref<25600xi32, #tpu.memory_space<vmem>>, vector<16xi32>,
    %shift_right_logical3A_45 = arith.constant 1 : i32
    %shift_right_logical3A_46 = vector.broadcast %shift_right_logical3A_45 : i32 to vector<16xi32>
    %shift_right_logical3A_47 = arith.shrui %get3A_44, %shift_right_logical3A_46 : vector<16xi32>
    %swap3A_48 = arith.constant 48 : index
    %swap3A_49 = tpu.vector_load %arg6[%swap3A_48] {strides = array<i32>} : memref<128xi32, #tpu.memory_space<vmem>>, vector<16xi32>,
    tpu.vector_store %arg6[%swap3A_48], %shift_right_logical3A_47 {strides = array<i32>} : memref<128xi32, #tpu.memory_space<vmem>>, vector<16xi32>,
    %and3A_50 = arith.constant 1 : i32
    %and3A_51 = vector.broadcast %and3A_50 : i32 to vector<16xi32>
    %and3A_52 = arith.andi %get3A_44, %and3A_51 : vector<16xi32>
    %shift_left3A_53 = arith.constant 6 : i32
    %shift_left3A_54 = vector.broadcast %shift_left3A_53 : i32 to vector<16xi32>
    %shift_left3A_55 = arith.shli %and3A_52, %shift_left3A_54 : vector<16xi32>
    %swap3A_56 = arith.constant 48 : index
    %swap3A_57 = tpu.vector_load %arg8[%swap3A_56] {strides = array<i32>} : memref<128xi32, #tpu.memory_space<vmem>>, vector<16xi32>,
    tpu.vector_store %arg8[%swap3A_56], %shift_left3A_55 {strides = array<i32>} : memref<128xi32, #tpu.memory_space<vmem>>, vector<16xi32>,
    %get3A_58 = arith.constant 64 : index
    %get3A_59 = tpu.vector_load %arg5[%get3A_58] {strides = array<i32>} : memref<25600xi32, #tpu.memory_space<vmem>>, vector<16xi32>,
    %shift_right_logical3A_60 = arith.constant 1 : i32
    %shift_right_logical3A_61 = vector.broadcast %shift_right_logical3A_60 : i32 to vector<16xi32>
    %shift_right_logical3A_62 = arith.shrui %get3A_59, %shift_right_logical3A_61 : vector<16xi32>
    %swap3A_63 = arith.constant 64 : index
    %swap3A_64 = tpu.vector_load %arg6[%swap3A_63] {strides = array<i32>} : memref<128xi32, #tpu.memory_space<vmem>>, vector<16xi32>,
    tpu.vector_store %arg6[%swap3A_63], %shift_right_logical3A_62 {strides = array<i32>} : memref<128xi32, #tpu.memory_space<vmem>>, vector<16xi32>,
    %and3A_65 = arith.constant 1 : i32
    %and3A_66 = vector.broadcast %and3A_65 : i32 to vector<16xi32>
    %and3A_67 = arith.andi %get3A_59, %and3A_66 : vector<16xi32>
    %shift_left3A_68 = arith.constant 6 : i32
    %shift_left3A_69 = vector.broadcast %shift_left3A_68 : i32 to vector<16xi32>
    %shift_left3A_70 = arith.shli %and3A_67, %shift_left3A_69 : vector<16xi32>
    %swap3A_71 = arith.constant 64 : index
    %swap3A_72 = tpu.vector_load %arg8[%swap3A_71] {strides = array<i32>} : memref<128xi32, #tpu.memory_space<vmem>>, vector<16xi32>,
    tpu.vector_store %arg8[%swap3A_71], %shift_left3A_70 {strides = array<i32>} : memref<128xi32, #tpu.memory_space<vmem>>, vector<16xi32>,
    %get3A_73 = arith.constant 80 : index
    %get3A_74 = tpu.vector_load %arg5[%get3A_73] {strides = array<i32>} : memref<25600xi32, #tpu.memory_space<vmem>>, vector<16xi32>,
    %shift_right_logical3A_75 = arith.constant 1 : i32
    %shift_right_logical3A_76 = vector.broadcast %shift_right_logical3A_75 : i32 to vector<16xi32>
    %shift_right_logical3A_77 = arith.shrui %get3A_74, %shift_right_logical3A_76 : vector<16xi32>
    %swap3A_78 = arith.constant 80 : index
    %swap3A_79 = tpu.vector_load %arg6[%swap3A_78] {strides = array<i32>} : memref<128xi32, #tpu.memory_space<vmem>>, vector<16xi32>,
    tpu.vector_store %arg6[%swap3A_78], %shift_right_logical3A_77 {strides = array<i32>} : memref<128xi32, #tpu.memory_space<vmem>>, vector<16xi32>,
    %and3A_80 = arith.constant 1 : i32
    %and3A_81 = vector.broadcast %and3A_80 : i32 to vector<16xi32>
    %and3A_82 = arith.andi %get3A_74, %and3A_81 : vector<16xi32>
    %shift_left3A_83 = arith.constant 6 : i32
    %shift_left3A_84 = vector.broadcast %shift_left3A_83 : i32 to vector<16xi32>
    %shift_left3A_85 = arith.shli %and3A_82, %shift_left3A_84 : vector<16xi32>
    %swap3A_86 = arith.constant 80 : index
    %swap3A_87 = tpu.vector_load %arg8[%swap3A_86] {strides = array<i32>} : memref<128xi32, #tpu.memory_space<vmem>>, vector<16xi32>,
    tpu.vector_store %arg8[%swap3A_86], %shift_left3A_85 {strides = array<i32>} : memref<128xi32, #tpu.memory_space<vmem>>, vector<16xi32>,
    %get3A_88 = arith.constant 96 : index
    %get3A_89 = tpu.vector_load %arg5[%get3A_88] {strides = array<i32>} : memref<25600xi32, #tpu.memory_space<vmem>>, vector<16xi32>,
    %shift_right_logical3A_90 = arith.constant 1 : i32
    %shift_right_logical3A_91 = vector.broadcast %shift_right_logical3A_90 : i32 to vector<16xi32>
    %shift_right_logical3A_92 = arith.shrui %get3A_89, %shift_right_logical3A_91 : vector<16xi32>
    %swap3A_93 = arith.constant 96 : index
    %swap3A_94 = tpu.vector_load %arg6[%swap3A_93] {strides = array<i32>} : memref<128xi32, #tpu.memory_space<vmem>>, vector<16xi32>,
    tpu.vector_store %arg6[%swap3A_93], %shift_right_logical3A_92 {strides = array<i32>} : memref<128xi32, #tpu.memory_space<vmem>>, vector<16xi32>,
    %and3A_95 = arith.constant 1 : i32
    %and3A_96 = vector.broadcast %and3A_95 : i32 to vector<16xi32>
    %and3A_97 = arith.andi %get3A_89, %and3A_96 : vector<16xi32>
    %shift_left3A_98 = arith.constant 6 : i32
    %shift_left3A_99 = vector.broadcast %shift_left3A_98 : i32 to vector<16xi32>
    %shift_left3A_100 = arith.shli %and3A_97, %shift_left3A_99 : vector<16xi32>
    %swap3A_101 = arith.constant 96 : index
    %swap3A_102 = tpu.vector_load %arg8[%swap3A_101] {strides = array<i32>} : memref<128xi32, #tpu.memory_space<vmem>>, vector<16xi32>,
    tpu.vector_store %arg8[%swap3A_101], %shift_left3A_100 {strides = array<i32>} : memref<128xi32, #tpu.memory_space<vmem>>, vector<16xi32>,
    %get3A_103 = arith.constant 112 : index
    %get3A_104 = tpu.vector_load %arg5[%get3A_103] {strides = array<i32>} : memref<25600xi32, #tpu.memory_space<vmem>>, vector<16xi32>,
    %shift_right_logical3A_105 = arith.constant 1 : i32
    %shift_right_logical3A_106 = vector.broadcast %shift_right_logical3A_105 : i32 to vector<16xi32>
    %shift_right_logical3A_107 = arith.shrui %get3A_104, %shift_right_logical3A_106 : vector<16xi32>
    %swap3A_108 = arith.constant 112 : index
    %swap3A_109 = tpu.vector_load %arg6[%swap3A_108] {strides = array<i32>} : memref<128xi32, #tpu.memory_space<vmem>>, vector<16xi32>,
    tpu.vector_store %arg6[%swap3A_108], %shift_right_logical3A_107 {strides = array<i32>} : memref<128xi32, #tpu.memory_space<vmem>>, vector<16xi32>,
    %and3A_110 = arith.constant 1 : i32
    %and3A_111 = vector.broadcast %and3A_110 : i32 to vector<16xi32>
    %and3A_112 = arith.andi %get3A_104, %and3A_111 : vector<16xi32>
    %shift_left3A_113 = arith.constant 6 : i32
    %shift_left3A_114 = vector.broadcast %shift_left3A_113 : i32 to vector<16xi32>
    %shift_left3A_115 = arith.shli %and3A_112, %shift_left3A_114 : vector<16xi32>
    %swap3A_116 = arith.constant 112 : index
    %swap3A_117 = tpu.vector_load %arg8[%swap3A_116] {strides = array<i32>} : memref<128xi32, #tpu.memory_space<vmem>>, vector<16xi32>,
    tpu.vector_store %arg8[%swap3A_116], %shift_left3A_115 {strides = array<i32>} : memref<128xi32, #tpu.memory_space<vmem>>, vector<16xi32>,
    %dma_start3A = arith.constant 0 : i32
    %dma_start3A_118 = arith.constant 0 : i32
    %dma_start3A_119 = tpu.memref_slice %arg3[%dma_start3A, %dma_start3A_118] : memref<500000x128xf32, #tpu.memory_space<hbm>> -> memref<500000x128xf32, #tpu.memory_space<hbm>>
    tpu.enqueue_indirect_dma source(%dma_start3A_119 : memref<500000x128xf32, #tpu.memory_space<hbm>>) target(%arg10 : memref<128x128xf32, #tpu.memory_space<vmem>>) offsets(%arg6 : memref<128xi32, #tpu.memory_space<vmem>>) semaphore(%arg14 : memref<!tpu.dma_semaphore, #tpu.memory_space<semaphore_mem>>)
    %scan3A = arith.constant 0 : i32
    %scan3A_120 = arith.constant 0 : i32
    %scan3A_121 = arith.constant 100 : i32
    %scan3A_122 = arith.addi %scan3A_120, %scan3A_121 : i32
    %scan3A_123 = arith.constant 1 : i32
    scf.for %scan3A_136 = %scan3A_120 to %scan3A_122 step %scan3A_123  : i32 {
      %mul3A_137 = arith.constant 2 : i32
      %mul3A_138 = arith.muli %scan3A_136, %mul3A_137 : i32
      %add3A_139 = arith.constant 0 : i32
      %add3A_140 = arith.addi %mul3A_138, %add3A_139 : i32
      %add3A_141 = arith.constant 1 : i32
      %add3A_142 = arith.addi %add3A_140, %add3A_141 : i32
      %lt3A = arith.constant 200 : i32
      %lt3A_143 = arith.cmpi slt, %add3A_142, %lt3A : i32
      %convert_element_type3A = arith.extui %lt3A_143 : i1 to i32
      %cond3A = arith.constant 0 : i32
      %cond3A_144 = arith.cmpi ne, %convert_element_type3A, %cond3A : i32
      scf.if %cond3A_144 {
        %add3A_190 = arith.constant 1 : i32
        %add3A_191 = arith.addi %add3A_140, %add3A_190 : i32
        %mul3A_192 = arith.constant 128 : i32
        %mul3A_193 = arith.muli %add3A_191, %mul3A_192 : i32
        %add3A_194 = arith.constant 0 : i32
        %add3A_195 = arith.addi %mul3A_193, %add3A_194 : i32
        %get3A_196 = arith.index_cast %add3A_195 : i32 to index
        %get3A_197 = tpu.vector_load %arg5[%get3A_196] {strides = array<i32>} : memref<25600xi32, #tpu.memory_space<vmem>>, vector<16xi32>,
        %shift_right_logical3A_198 = arith.constant 1 : i32
        %shift_right_logical3A_199 = vector.broadcast %shift_right_logical3A_198 : i32 to vector<16xi32>
        %shift_right_logical3A_200 = arith.shrui %get3A_197, %shift_right_logical3A_199 : vector<16xi32>
        %swap3A_201 = arith.constant 0 : index
        %swap3A_202 = tpu.vector_load %arg7[%swap3A_201] {strides = array<i32>} : memref<128xi32, #tpu.memory_space<vmem>>, vector<16xi32>,
        tpu.vector_store %arg7[%swap3A_201], %shift_right_logical3A_200 {strides = array<i32>} : memref<128xi32, #tpu.memory_space<vmem>>, vector<16xi32>,
        %and3A_203 = arith.constant 1 : i32
        %and3A_204 = vector.broadcast %and3A_203 : i32 to vector<16xi32>
        %and3A_205 = arith.andi %get3A_197, %and3A_204 : vector<16xi32>
        %shift_left3A_206 = arith.constant 6 : i32
        %shift_left3A_207 = vector.broadcast %shift_left3A_206 : i32 to vector<16xi32>
        %shift_left3A_208 = arith.shli %and3A_205, %shift_left3A_207 : vector<16xi32>
        %swap3A_209 = arith.constant 0 : index
        %swap3A_210 = tpu.vector_load %arg9[%swap3A_209] {strides = array<i32>} : memref<128xi32, #tpu.memory_space<vmem>>, vector<16xi32>,
        tpu.vector_store %arg9[%swap3A_209], %shift_left3A_208 {strides = array<i32>} : memref<128xi32, #tpu.memory_space<vmem>>, vector<16xi32>,
        %mul3A_211 = arith.constant 128 : i32
        %mul3A_212 = arith.muli %add3A_191, %mul3A_211 : i32
        %add3A_213 = arith.constant 16 : i32
        %add3A_214 = arith.addi %mul3A_212, %add3A_213 : i32
        %get3A_215 = arith.index_cast %add3A_214 : i32 to index
        %get3A_216 = tpu.vector_load %arg5[%get3A_215] {strides = array<i32>} : memref<25600xi32, #tpu.memory_space<vmem>>, vector<16xi32>,
        %shift_right_logical3A_217 = arith.constant 1 : i32
        %shift_right_logical3A_218 = vector.broadcast %shift_right_logical3A_217 : i32 to vector<16xi32>
        %shift_right_logical3A_219 = arith.shrui %get3A_216, %shift_right_logical3A_218 : vector<16xi32>
        %swap3A_220 = arith.constant 16 : index
        %swap3A_221 = tpu.vector_load %arg7[%swap3A_220] {strides = array<i32>} : memref<128xi32, #tpu.memory_space<vmem>>, vector<16xi32>,
        tpu.vector_store %arg7[%swap3A_220], %shift_right_logical3A_219 {strides = array<i32>} : memref<128xi32, #tpu.memory_space<vmem>>, vector<16xi32>,
        %and3A_222 = arith.constant 1 : i32
        %and3A_223 = vector.broadcast %and3A_222 : i32 to vector<16xi32>
        %and3A_224 = arith.andi %get3A_216, %and3A_223 : vector<16xi32>
        %shift_left3A_225 = arith.constant 6 : i32
        %shift_left3A_226 = vector.broadcast %shift_left3A_225 : i32 to vector<16xi32>
        %shift_left3A_227 = arith.shli %and3A_224, %shift_left3A_226 : vector<16xi32>
        %swap3A_228 = arith.constant 16 : index
        %swap3A_229 = tpu.vector_load %arg9[%swap3A_228] {strides = array<i32>} : memref<128xi32, #tpu.memory_space<vmem>>, vector<16xi32>,
        tpu.vector_store %arg9[%swap3A_228], %shift_left3A_227 {strides = array<i32>} : memref<128xi32, #tpu.memory_space<vmem>>, vector<16xi32>,
        %mul3A_230 = arith.constant 128 : i32
        %mul3A_231 = arith.muli %add3A_191, %mul3A_230 : i32
        %add3A_232 = arith.constant 32 : i32
        %add3A_233 = arith.addi %mul3A_231, %add3A_232 : i32
        %get3A_234 = arith.index_cast %add3A_233 : i32 to index
        %get3A_235 = tpu.vector_load %arg5[%get3A_234] {strides = array<i32>} : memref<25600xi32, #tpu.memory_space<vmem>>, vector<16xi32>,
        %shift_right_logical3A_236 = arith.constant 1 : i32
        %shift_right_logical3A_237 = vector.broadcast %shift_right_logical3A_236 : i32 to vector<16xi32>
        %shift_right_logical3A_238 = arith.shrui %get3A_235, %shift_right_logical3A_237 : vector<16xi32>
        %swap3A_239 = arith.constant 32 : index
        %swap3A_240 = tpu.vector_load %arg7[%swap3A_239] {strides = array<i32>} : memref<128xi32, #tpu.memory_space<vmem>>, vector<16xi32>,
        tpu.vector_store %arg7[%swap3A_239], %shift_right_logical3A_238 {strides = array<i32>} : memref<128xi32, #tpu.memory_space<vmem>>, vector<16xi32>,
        %and3A_241 = arith.constant 1 : i32
        %and3A_242 = vector.broadcast %and3A_241 : i32 to vector<16xi32>
        %and3A_243 = arith.andi %get3A_235, %and3A_242 : vector<16xi32>
        %shift_left3A_244 = arith.constant 6 : i32
        %shift_left3A_245 = vector.broadcast %shift_left3A_244 : i32 to vector<16xi32>
        %shift_left3A_246 = arith.shli %and3A_243, %shift_left3A_245 : vector<16xi32>
        %swap3A_247 = arith.constant 32 : index
        %swap3A_248 = tpu.vector_load %arg9[%swap3A_247] {strides = array<i32>} : memref<128xi32, #tpu.memory_space<vmem>>, vector<16xi32>,
        tpu.vector_store %arg9[%swap3A_247], %shift_left3A_246 {strides = array<i32>} : memref<128xi32, #tpu.memory_space<vmem>>, vector<16xi32>,
        %mul3A_249 = arith.constant 128 : i32
        %mul3A_250 = arith.muli %add3A_191, %mul3A_249 : i32
        %add3A_251 = arith.constant 48 : i32
        %add3A_252 = arith.addi %mul3A_250, %add3A_251 : i32
        %get3A_253 = arith.index_cast %add3A_252 : i32 to index
        %get3A_254 = tpu.vector_load %arg5[%get3A_253] {strides = array<i32>} : memref<25600xi32, #tpu.memory_space<vmem>>, vector<16xi32>,
        %shift_right_logical3A_255 = arith.constant 1 : i32
        %shift_right_logical3A_256 = vector.broadcast %shift_right_logical3A_255 : i32 to vector<16xi32>
        %shift_right_logical3A_257 = arith.shrui %get3A_254, %shift_right_logical3A_256 : vector<16xi32>
        %swap3A_258 = arith.constant 48 : index
        %swap3A_259 = tpu.vector_load %arg7[%swap3A_258] {strides = array<i32>} : memref<128xi32, #tpu.memory_space<vmem>>, vector<16xi32>,
        tpu.vector_store %arg7[%swap3A_258], %shift_right_logical3A_257 {strides = array<i32>} : memref<128xi32, #tpu.memory_space<vmem>>, vector<16xi32>,
        %and3A_260 = arith.constant 1 : i32
        %and3A_261 = vector.broadcast %and3A_260 : i32 to vector<16xi32>
        %and3A_262 = arith.andi %get3A_254, %and3A_261 : vector<16xi32>
        %shift_left3A_263 = arith.constant 6 : i32
        %shift_left3A_264 = vector.broadcast %shift_left3A_263 : i32 to vector<16xi32>
        %shift_left3A_265 = arith.shli %and3A_262, %shift_left3A_264 : vector<16xi32>
        %swap3A_266 = arith.constant 48 : index
        %swap3A_267 = tpu.vector_load %arg9[%swap3A_266] {strides = array<i32>} : memref<128xi32, #tpu.memory_space<vmem>>, vector<16xi32>,
        tpu.vector_store %arg9[%swap3A_266], %shift_left3A_265 {strides = array<i32>} : memref<128xi32, #tpu.memory_space<vmem>>, vector<16xi32>,
        %mul3A_268 = arith.constant 128 : i32
        %mul3A_269 = arith.muli %add3A_191, %mul3A_268 : i32
        %add3A_270 = arith.constant 64 : i32
        %add3A_271 = arith.addi %mul3A_269, %add3A_270 : i32
        %get3A_272 = arith.index_cast %add3A_271 : i32 to index
        %get3A_273 = tpu.vector_load %arg5[%get3A_272] {strides = array<i32>} : memref<25600xi32, #tpu.memory_space<vmem>>, vector<16xi32>,
        %shift_right_logical3A_274 = arith.constant 1 : i32
        %shift_right_logical3A_275 = vector.broadcast %shift_right_logical3A_274 : i32 to vector<16xi32>
        %shift_right_logical3A_276 = arith.shrui %get3A_273, %shift_right_logical3A_275 : vector<16xi32>
        %swap3A_277 = arith.constant 64 : index
        %swap3A_278 = tpu.vector_load %arg7[%swap3A_277] {strides = array<i32>} : memref<128xi32, #tpu.memory_space<vmem>>, vector<16xi32>,
        tpu.vector_store %arg7[%swap3A_277], %shift_right_logical3A_276 {strides = array<i32>} : memref<128xi32, #tpu.memory_space<vmem>>, vector<16xi32>,
        %and3A_279 = arith.constant 1 : i32
        %and3A_280 = vector.broadcast %and3A_279 : i32 to vector<16xi32>
        %and3A_281 = arith.andi %get3A_273, %and3A_280 : vector<16xi32>
        %shift_left3A_282 = arith.constant 6 : i32
        %shift_left3A_283 = vector.broadcast %shift_left3A_282 : i32 to vector<16xi32>
        %shift_left3A_284 = arith.shli %and3A_281, %shift_left3A_283 : vector<16xi32>
        %swap3A_285 = arith.constant 64 : index
        %swap3A_286 = tpu.vector_load %arg9[%swap3A_285] {strides = array<i32>} : memref<128xi32, #tpu.memory_space<vmem>>, vector<16xi32>,
        tpu.vector_store %arg9[%swap3A_285], %shift_left3A_284 {strides = array<i32>} : memref<128xi32, #tpu.memory_space<vmem>>, vector<16xi32>,
        %mul3A_287 = arith.constant 128 : i32
        %mul3A_288 = arith.muli %add3A_191, %mul3A_287 : i32
        %add3A_289 = arith.constant 80 : i32
        %add3A_290 = arith.addi %mul3A_288, %add3A_289 : i32
        %get3A_291 = arith.index_cast %add3A_290 : i32 to index
        %get3A_292 = tpu.vector_load %arg5[%get3A_291] {strides = array<i32>} : memref<25600xi32, #tpu.memory_space<vmem>>, vector<16xi32>,
        %shift_right_logical3A_293 = arith.constant 1 : i32
        %shift_right_logical3A_294 = vector.broadcast %shift_right_logical3A_293 : i32 to vector<16xi32>
        %shift_right_logical3A_295 = arith.shrui %get3A_292, %shift_right_logical3A_294 : vector<16xi32>
        %swap3A_296 = arith.constant 80 : index
        %swap3A_297 = tpu.vector_load %arg7[%swap3A_296] {strides = array<i32>} : memref<128xi32, #tpu.memory_space<vmem>>, vector<16xi32>,
        tpu.vector_store %arg7[%swap3A_296], %shift_right_logical3A_295 {strides = array<i32>} : memref<128xi32, #tpu.memory_space<vmem>>, vector<16xi32>,
        %and3A_298 = arith.constant 1 : i32
        %and3A_299 = vector.broadcast %and3A_298 : i32 to vector<16xi32>
        %and3A_300 = arith.andi %get3A_292, %and3A_299 : vector<16xi32>
        %shift_left3A_301 = arith.constant 6 : i32
        %shift_left3A_302 = vector.broadcast %shift_left3A_301 : i32 to vector<16xi32>
        %shift_left3A_303 = arith.shli %and3A_300, %shift_left3A_302 : vector<16xi32>
        %swap3A_304 = arith.constant 80 : index
        %swap3A_305 = tpu.vector_load %arg9[%swap3A_304] {strides = array<i32>} : memref<128xi32, #tpu.memory_space<vmem>>, vector<16xi32>,
        tpu.vector_store %arg9[%swap3A_304], %shift_left3A_303 {strides = array<i32>} : memref<128xi32, #tpu.memory_space<vmem>>, vector<16xi32>,
        %mul3A_306 = arith.constant 128 : i32
        %mul3A_307 = arith.muli %add3A_191, %mul3A_306 : i32
        %add3A_308 = arith.constant 96 : i32
        %add3A_309 = arith.addi %mul3A_307, %add3A_308 : i32
        %get3A_310 = arith.index_cast %add3A_309 : i32 to index
        %get3A_311 = tpu.vector_load %arg5[%get3A_310] {strides = array<i32>} : memref<25600xi32, #tpu.memory_space<vmem>>, vector<16xi32>,
        %shift_right_logical3A_312 = arith.constant 1 : i32
        %shift_right_logical3A_313 = vector.broadcast %shift_right_logical3A_312 : i32 to vector<16xi32>
        %shift_right_logical3A_314 = arith.shrui %get3A_311, %shift_right_logical3A_313 : vector<16xi32>
        %swap3A_315 = arith.constant 96 : index
        %swap3A_316 = tpu.vector_load %arg7[%swap3A_315] {strides = array<i32>} : memref<128xi32, #tpu.memory_space<vmem>>, vector<16xi32>,
        tpu.vector_store %arg7[%swap3A_315], %shift_right_logical3A_314 {strides = array<i32>} : memref<128xi32, #tpu.memory_space<vmem>>, vector<16xi32>,
        %and3A_317 = arith.constant 1 : i32
        %and3A_318 = vector.broadcast %and3A_317 : i32 to vector<16xi32>
        %and3A_319 = arith.andi %get3A_311, %and3A_318 : vector<16xi32>
        %shift_left3A_320 = arith.constant 6 : i32
        %shift_left3A_321 = vector.broadcast %shift_left3A_320 : i32 to vector<16xi32>
        %shift_left3A_322 = arith.shli %and3A_319, %shift_left3A_321 : vector<16xi32>
        %swap3A_323 = arith.constant 96 : index
        %swap3A_324 = tpu.vector_load %arg9[%swap3A_323] {strides = array<i32>} : memref<128xi32, #tpu.memory_space<vmem>>, vector<16xi32>,
        tpu.vector_store %arg9[%swap3A_323], %shift_left3A_322 {strides = array<i32>} : memref<128xi32, #tpu.memory_space<vmem>>, vector<16xi32>,
        %mul3A_325 = arith.constant 128 : i32
        %mul3A_326 = arith.muli %add3A_191, %mul3A_325 : i32
        %add3A_327 = arith.constant 112 : i32
        %add3A_328 = arith.addi %mul3A_326, %add3A_327 : i32
        %get3A_329 = arith.index_cast %add3A_328 : i32 to index
        %get3A_330 = tpu.vector_load %arg5[%get3A_329] {strides = array<i32>} : memref<25600xi32, #tpu.memory_space<vmem>>, vector<16xi32>,
        %shift_right_logical3A_331 = arith.constant 1 : i32
        %shift_right_logical3A_332 = vector.broadcast %shift_right_logical3A_331 : i32 to vector<16xi32>
        %shift_right_logical3A_333 = arith.shrui %get3A_330, %shift_right_logical3A_332 : vector<16xi32>
        %swap3A_334 = arith.constant 112 : index
        %swap3A_335 = tpu.vector_load %arg7[%swap3A_334] {strides = array<i32>} : memref<128xi32, #tpu.memory_space<vmem>>, vector<16xi32>,
        tpu.vector_store %arg7[%swap3A_334], %shift_right_logical3A_333 {strides = array<i32>} : memref<128xi32, #tpu.memory_space<vmem>>, vector<16xi32>,
        %and3A_336 = arith.constant 1 : i32
        %and3A_337 = vector.broadcast %and3A_336 : i32 to vector<16xi32>
        %and3A_338 = arith.andi %get3A_330, %and3A_337 : vector<16xi32>
        %shift_left3A_339 = arith.constant 6 : i32
        %shift_left3A_340 = vector.broadcast %shift_left3A_339 : i32 to vector<16xi32>
        %shift_left3A_341 = arith.shli %and3A_338, %shift_left3A_340 : vector<16xi32>
        %swap3A_342 = arith.constant 112 : index
        %swap3A_343 = tpu.vector_load %arg9[%swap3A_342] {strides = array<i32>} : memref<128xi32, #tpu.memory_space<vmem>>, vector<16xi32>,
        tpu.vector_store %arg9[%swap3A_342], %shift_left3A_341 {strides = array<i32>} : memref<128xi32, #tpu.memory_space<vmem>>, vector<16xi32>,
        %dma_start3A_344 = arith.constant 0 : i32
        %dma_start3A_345 = arith.constant 0 : i32
        %dma_start3A_346 = tpu.memref_slice %arg3[%dma_start3A_344, %dma_start3A_345] : memref<500000x128xf32, #tpu.memory_space<hbm>> -> memref<500000x128xf32, #tpu.memory_space<hbm>>
        tpu.enqueue_indirect_dma source(%dma_start3A_346 : memref<500000x128xf32, #tpu.memory_space<hbm>>) target(%arg11 : memref<128x128xf32, #tpu.memory_space<vmem>>) offsets(%arg7 : memref<128xi32, #tpu.memory_space<vmem>>) semaphore(%arg15 : memref<!tpu.dma_semaphore, #tpu.memory_space<semaphore_mem>>)
      } else {
      }
      %dma_wait3A_145 = arith.constant 0 : i32
      %dma_wait3A_146 = arith.constant 0 : i32
      %dma_wait3A_147 = tpu.memref_slice %arg3[%dma_wait3A_145, %dma_wait3A_146] : memref<500000x128xf32, #tpu.memory_space<hbm>> -> memref<500000x128xf32, #tpu.memory_space<hbm>>
      tpu.wait_indirect_dma semaphore(%arg14 : memref<!tpu.dma_semaphore, #tpu.memory_space<semaphore_mem>>) src(%dma_wait3A_147 : memref<500000x128xf32, #tpu.memory_space<hbm>>) dst(%arg10 : memref<128x128xf32, #tpu.memory_space<vmem>>)
      %ge3A = arith.constant 2 : i32
      %ge3A_148 = arith.cmpi sge, %add3A_140, %ge3A : i32
      %convert_element_type3A_149 = arith.extui %ge3A_148 : i1 to i32
      %cond3A_150 = arith.constant 0 : i32
      %cond3A_151 = arith.cmpi ne, %convert_element_type3A_149, %cond3A_150 : i32
      scf.if %cond3A_151 {
        %dma_wait3A_190 = arith.constant 0 : i32
        %dma_wait3A_191 = arith.constant 0 : i32
        %dma_wait3A_192 = tpu.memref_slice %arg4[%dma_wait3A_190, %dma_wait3A_191] : memref<819200x64xf32, #tpu.memory_space<hbm>> -> memref<128x64xf32, #tpu.memory_space<hbm>>
        %dma_wait3A_193 = arith.constant 0 : i32
        %dma_wait3A_194 = arith.constant 0 : i32
        %dma_wait3A_195 = tpu.memref_slice %arg4[%dma_wait3A_193, %dma_wait3A_194] : memref<819200x64xf32, #tpu.memory_space<hbm>> -> memref<128x64xf32, #tpu.memory_space<hbm>>
        tpu.wait_dma2 semaphore(%arg16 : memref<!tpu.dma_semaphore, #tpu.memory_space<semaphore_mem>>) src(%arg12 : memref<128x64xf32, #tpu.memory_space<vmem>>) dst(%dma_wait3A_195 : memref<128x64xf32, #tpu.memory_space<hbm>>)
      } else {
      }
      %parallel_loop3A = arith.constant 0 : i32
      %parallel_loop3A_152 = arith.constant 128 : i32
      %parallel_loop3A_153 = arith.constant 1 : i32
      scf.for %parallel_loop3A_190 = %parallel_loop3A to %parallel_loop3A_152 step %parallel_loop3A_153  : i32 {
        %parallel_loop3A_191 = vector.broadcast %parallel_loop3A_190 : i32 to vector<16xi32>
        %parallel_loop3A_192 = tpu.vector_load_idx %arg8[%parallel_loop3A_191] : memref<128xi32, #tpu.memory_space<vmem>>[vector<16xi32>], vector<16xi32>,
        %parallel_loop3A_193 = arith.constant 0 : i32
        %parallel_loop3A_194 = vector.broadcast %parallel_loop3A_193 : i32 to vector<16xi32>
        %parallel_loop3A_195 = arith.addi %parallel_loop3A_194, %iota3A : vector<16xi32>
        %parallel_loop3A_196 = arith.addi %parallel_loop3A_192, %parallel_loop3A_195 : vector<16xi32>
        %parallel_loop3A_197 = tpu.vector_load_idx %arg10[%parallel_loop3A_191, %parallel_loop3A_196] : memref<128x128xf32, #tpu.memory_space<vmem>>[vector<16xi32>, vector<16xi32>], vector<16xf32>,
        %parallel_loop3A_198 = arith.index_cast %parallel_loop3A_190 : i32 to index
        %parallel_loop3A_199 = arith.constant 0 : index
        %parallel_loop3A_200 = tpu.vector_load %arg12[%parallel_loop3A_198, %parallel_loop3A_199] {strides = array<i32>} : memref<128x64xf32, #tpu.memory_space<vmem>>, vector<16xf32>,
        tpu.vector_store %arg12[%parallel_loop3A_198, %parallel_loop3A_199], %parallel_loop3A_197 {strides = array<i32>} : memref<128x64xf32, #tpu.memory_space<vmem>>, vector<16xf32>,
        %parallel_loop3A_201 = arith.constant 16 : i32
        %parallel_loop3A_202 = vector.broadcast %parallel_loop3A_201 : i32 to vector<16xi32>
        %parallel_loop3A_203 = arith.addi %parallel_loop3A_202, %iota3A : vector<16xi32>
        %parallel_loop3A_204 = arith.addi %parallel_loop3A_192, %parallel_loop3A_203 : vector<16xi32>
        %parallel_loop3A_205 = tpu.vector_load_idx %arg10[%parallel_loop3A_191, %parallel_loop3A_204] : memref<128x128xf32, #tpu.memory_space<vmem>>[vector<16xi32>, vector<16xi32>], vector<16xf32>,
        %parallel_loop3A_206 = arith.index_cast %parallel_loop3A_190 : i32 to index
        %parallel_loop3A_207 = arith.constant 16 : index
        %parallel_loop3A_208 = tpu.vector_load %arg12[%parallel_loop3A_206, %parallel_loop3A_207] {strides = array<i32>} : memref<128x64xf32, #tpu.memory_space<vmem>>, vector<16xf32>,
        tpu.vector_store %arg12[%parallel_loop3A_206, %parallel_loop3A_207], %parallel_loop3A_205 {strides = array<i32>} : memref<128x64xf32, #tpu.memory_space<vmem>>, vector<16xf32>,
        %parallel_loop3A_209 = arith.constant 32 : i32
        %parallel_loop3A_210 = vector.broadcast %parallel_loop3A_209 : i32 to vector<16xi32>
        %parallel_loop3A_211 = arith.addi %parallel_loop3A_210, %iota3A : vector<16xi32>
        %parallel_loop3A_212 = arith.addi %parallel_loop3A_192, %parallel_loop3A_211 : vector<16xi32>
        %parallel_loop3A_213 = tpu.vector_load_idx %arg10[%parallel_loop3A_191, %parallel_loop3A_212] : memref<128x128xf32, #tpu.memory_space<vmem>>[vector<16xi32>, vector<16xi32>], vector<16xf32>,
        %parallel_loop3A_214 = arith.index_cast %parallel_loop3A_190 : i32 to index
        %parallel_loop3A_215 = arith.constant 32 : index
        %parallel_loop3A_216 = tpu.vector_load %arg12[%parallel_loop3A_214, %parallel_loop3A_215] {strides = array<i32>} : memref<128x64xf32, #tpu.memory_space<vmem>>, vector<16xf32>,
        tpu.vector_store %arg12[%parallel_loop3A_214, %parallel_loop3A_215], %parallel_loop3A_213 {strides = array<i32>} : memref<128x64xf32, #tpu.memory_space<vmem>>, vector<16xf32>,
        %parallel_loop3A_217 = arith.constant 48 : i32
        %parallel_loop3A_218 = vector.broadcast %parallel_loop3A_217 : i32 to vector<16xi32>
        %parallel_loop3A_219 = arith.addi %parallel_loop3A_218, %iota3A : vector<16xi32>
        %parallel_loop3A_220 = arith.addi %parallel_loop3A_192, %parallel_loop3A_219 : vector<16xi32>
        %parallel_loop3A_221 = tpu.vector_load_idx %arg10[%parallel_loop3A_191, %parallel_loop3A_220] : memref<128x128xf32, #tpu.memory_space<vmem>>[vector<16xi32>, vector<16xi32>], vector<16xf32>,
        %parallel_loop3A_222 = arith.index_cast %parallel_loop3A_190 : i32 to index
        %parallel_loop3A_223 = arith.constant 48 : index
        %parallel_loop3A_224 = tpu.vector_load %arg12[%parallel_loop3A_222, %parallel_loop3A_223] {strides = array<i32>} : memref<128x64xf32, #tpu.memory_space<vmem>>, vector<16xf32>,
        tpu.vector_store %arg12[%parallel_loop3A_222, %parallel_loop3A_223], %parallel_loop3A_221 {strides = array<i32>} : memref<128x64xf32, #tpu.memory_space<vmem>>, vector<16xf32>,
      } {sc.loop_unroll_factor = 4 : i64, sc.parallel_access}
      %mul3A_154 = arith.constant 128 : i32
      %mul3A_155 = arith.muli %add3A_140, %mul3A_154 : i32
      %add3A_156 = arith.addi %mul3A_2, %mul3A_155 : i32
      %dma_start3A_157 = arith.constant 0 : i32
      %dma_start3A_158 = tpu.memref_slice %arg4[%add3A_156, %dma_start3A_157] : memref<819200x64xf32, #tpu.memory_space<hbm>> -> memref<128x64xf32, #tpu.memory_space<hbm>>
      %dma_start3A_159 = arith.constant 0 : i32
      %dma_start3A_160 = tpu.memref_slice %arg4[%add3A_156, %dma_start3A_159] : memref<819200x64xf32, #tpu.memory_space<hbm>> -> memref<128x64xf32, #tpu.memory_space<hbm>>
      tpu.enqueue_dma source(%arg12 : memref<128x64xf32, #tpu.memory_space<vmem>>) target(%dma_start3A_160 : memref<128x64xf32, #tpu.memory_space<hbm>>) target_semaphore(%arg16 : memref<!tpu.dma_semaphore, #tpu.memory_space<semaphore_mem>>)
      %mul3A_161 = arith.constant 2 : i32
      %mul3A_162 = arith.muli %scan3A_136, %mul3A_161 : i32
      %add3A_163 = arith.constant 1 : i32
      %add3A_164 = arith.addi %mul3A_162, %add3A_163 : i32
      %add3A_165 = arith.constant 1 : i32
      %add3A_166 = arith.addi %add3A_164, %add3A_165 : i32
      %lt3A_167 = arith.constant 200 : i32
      %lt3A_168 = arith.cmpi slt, %add3A_166, %lt3A_167 : i32
      %convert_element_type3A_169 = arith.extui %lt3A_168 : i1 to i32
      %cond3A_170 = arith.constant 0 : i32
      %cond3A_171 = arith.cmpi ne, %convert_element_type3A_169, %cond3A_170 : i32
      scf.if %cond3A_171 {
        %add3A_190 = arith.constant 1 : i32
        %add3A_191 = arith.addi %add3A_164, %add3A_190 : i32
        %mul3A_192 = arith.constant 128 : i32
        %mul3A_193 = arith.muli %add3A_191, %mul3A_192 : i32
        %add3A_194 = arith.constant 0 : i32
        %add3A_195 = arith.addi %mul3A_193, %add3A_194 : i32
        %get3A_196 = arith.index_cast %add3A_195 : i32 to index
        %get3A_197 = tpu.vector_load %arg5[%get3A_196] {strides = array<i32>} : memref<25600xi32, #tpu.memory_space<vmem>>, vector<16xi32>,
        %shift_right_logical3A_198 = arith.constant 1 : i32
        %shift_right_logical3A_199 = vector.broadcast %shift_right_logical3A_198 : i32 to vector<16xi32>
        %shift_right_logical3A_200 = arith.shrui %get3A_197, %shift_right_logical3A_199 : vector<16xi32>
        %swap3A_201 = arith.constant 0 : index
        %swap3A_202 = tpu.vector_load %arg6[%swap3A_201] {strides = array<i32>} : memref<128xi32, #tpu.memory_space<vmem>>, vector<16xi32>,
        tpu.vector_store %arg6[%swap3A_201], %shift_right_logical3A_200 {strides = array<i32>} : memref<128xi32, #tpu.memory_space<vmem>>, vector<16xi32>,
        %and3A_203 = arith.constant 1 : i32
        %and3A_204 = vector.broadcast %and3A_203 : i32 to vector<16xi32>
        %and3A_205 = arith.andi %get3A_197, %and3A_204 : vector<16xi32>
        %shift_left3A_206 = arith.constant 6 : i32
        %shift_left3A_207 = vector.broadcast %shift_left3A_206 : i32 to vector<16xi32>
        %shift_left3A_208 = arith.shli %and3A_205, %shift_left3A_207 : vector<16xi32>
        %swap3A_209 = arith.constant 0 : index
        %swap3A_210 = tpu.vector_load %arg8[%swap3A_209] {strides = array<i32>} : memref<128xi32, #tpu.memory_space<vmem>>, vector<16xi32>,
        tpu.vector_store %arg8[%swap3A_209], %shift_left3A_208 {strides = array<i32>} : memref<128xi32, #tpu.memory_space<vmem>>, vector<16xi32>,
        %mul3A_211 = arith.constant 128 : i32
        %mul3A_212 = arith.muli %add3A_191, %mul3A_211 : i32
        %add3A_213 = arith.constant 16 : i32
        %add3A_214 = arith.addi %mul3A_212, %add3A_213 : i32
        %get3A_215 = arith.index_cast %add3A_214 : i32 to index
        %get3A_216 = tpu.vector_load %arg5[%get3A_215] {strides = array<i32>} : memref<25600xi32, #tpu.memory_space<vmem>>, vector<16xi32>,
        %shift_right_logical3A_217 = arith.constant 1 : i32
        %shift_right_logical3A_218 = vector.broadcast %shift_right_logical3A_217 : i32 to vector<16xi32>
        %shift_right_logical3A_219 = arith.shrui %get3A_216, %shift_right_logical3A_218 : vector<16xi32>
        %swap3A_220 = arith.constant 16 : index
        %swap3A_221 = tpu.vector_load %arg6[%swap3A_220] {strides = array<i32>} : memref<128xi32, #tpu.memory_space<vmem>>, vector<16xi32>,
        tpu.vector_store %arg6[%swap3A_220], %shift_right_logical3A_219 {strides = array<i32>} : memref<128xi32, #tpu.memory_space<vmem>>, vector<16xi32>,
        %and3A_222 = arith.constant 1 : i32
        %and3A_223 = vector.broadcast %and3A_222 : i32 to vector<16xi32>
        %and3A_224 = arith.andi %get3A_216, %and3A_223 : vector<16xi32>
        %shift_left3A_225 = arith.constant 6 : i32
        %shift_left3A_226 = vector.broadcast %shift_left3A_225 : i32 to vector<16xi32>
        %shift_left3A_227 = arith.shli %and3A_224, %shift_left3A_226 : vector<16xi32>
        %swap3A_228 = arith.constant 16 : index
        %swap3A_229 = tpu.vector_load %arg8[%swap3A_228] {strides = array<i32>} : memref<128xi32, #tpu.memory_space<vmem>>, vector<16xi32>,
        tpu.vector_store %arg8[%swap3A_228], %shift_left3A_227 {strides = array<i32>} : memref<128xi32, #tpu.memory_space<vmem>>, vector<16xi32>,
        %mul3A_230 = arith.constant 128 : i32
        %mul3A_231 = arith.muli %add3A_191, %mul3A_230 : i32
        %add3A_232 = arith.constant 32 : i32
        %add3A_233 = arith.addi %mul3A_231, %add3A_232 : i32
        %get3A_234 = arith.index_cast %add3A_233 : i32 to index
        %get3A_235 = tpu.vector_load %arg5[%get3A_234] {strides = array<i32>} : memref<25600xi32, #tpu.memory_space<vmem>>, vector<16xi32>,
        %shift_right_logical3A_236 = arith.constant 1 : i32
        %shift_right_logical3A_237 = vector.broadcast %shift_right_logical3A_236 : i32 to vector<16xi32>
        %shift_right_logical3A_238 = arith.shrui %get3A_235, %shift_right_logical3A_237 : vector<16xi32>
        %swap3A_239 = arith.constant 32 : index
        %swap3A_240 = tpu.vector_load %arg6[%swap3A_239] {strides = array<i32>} : memref<128xi32, #tpu.memory_space<vmem>>, vector<16xi32>,
        tpu.vector_store %arg6[%swap3A_239], %shift_right_logical3A_238 {strides = array<i32>} : memref<128xi32, #tpu.memory_space<vmem>>, vector<16xi32>,
        %and3A_241 = arith.constant 1 : i32
        %and3A_242 = vector.broadcast %and3A_241 : i32 to vector<16xi32>
        %and3A_243 = arith.andi %get3A_235, %and3A_242 : vector<16xi32>
        %shift_left3A_244 = arith.constant 6 : i32
        %shift_left3A_245 = vector.broadcast %shift_left3A_244 : i32 to vector<16xi32>
        %shift_left3A_246 = arith.shli %and3A_243, %shift_left3A_245 : vector<16xi32>
        %swap3A_247 = arith.constant 32 : index
        %swap3A_248 = tpu.vector_load %arg8[%swap3A_247] {strides = array<i32>} : memref<128xi32, #tpu.memory_space<vmem>>, vector<16xi32>,
        tpu.vector_store %arg8[%swap3A_247], %shift_left3A_246 {strides = array<i32>} : memref<128xi32, #tpu.memory_space<vmem>>, vector<16xi32>,
        %mul3A_249 = arith.constant 128 : i32
        %mul3A_250 = arith.muli %add3A_191, %mul3A_249 : i32
        %add3A_251 = arith.constant 48 : i32
        %add3A_252 = arith.addi %mul3A_250, %add3A_251 : i32
        %get3A_253 = arith.index_cast %add3A_252 : i32 to index
        %get3A_254 = tpu.vector_load %arg5[%get3A_253] {strides = array<i32>} : memref<25600xi32, #tpu.memory_space<vmem>>, vector<16xi32>,
        %shift_right_logical3A_255 = arith.constant 1 : i32
        %shift_right_logical3A_256 = vector.broadcast %shift_right_logical3A_255 : i32 to vector<16xi32>
        %shift_right_logical3A_257 = arith.shrui %get3A_254, %shift_right_logical3A_256 : vector<16xi32>
        %swap3A_258 = arith.constant 48 : index
        %swap3A_259 = tpu.vector_load %arg6[%swap3A_258] {strides = array<i32>} : memref<128xi32, #tpu.memory_space<vmem>>, vector<16xi32>,
        tpu.vector_store %arg6[%swap3A_258], %shift_right_logical3A_257 {strides = array<i32>} : memref<128xi32, #tpu.memory_space<vmem>>, vector<16xi32>,
        %and3A_260 = arith.constant 1 : i32
        %and3A_261 = vector.broadcast %and3A_260 : i32 to vector<16xi32>
        %and3A_262 = arith.andi %get3A_254, %and3A_261 : vector<16xi32>
        %shift_left3A_263 = arith.constant 6 : i32
        %shift_left3A_264 = vector.broadcast %shift_left3A_263 : i32 to vector<16xi32>
        %shift_left3A_265 = arith.shli %and3A_262, %shift_left3A_264 : vector<16xi32>
        %swap3A_266 = arith.constant 48 : index
        %swap3A_267 = tpu.vector_load %arg8[%swap3A_266] {strides = array<i32>} : memref<128xi32, #tpu.memory_space<vmem>>, vector<16xi32>,
        tpu.vector_store %arg8[%swap3A_266], %shift_left3A_265 {strides = array<i32>} : memref<128xi32, #tpu.memory_space<vmem>>, vector<16xi32>,
        %mul3A_268 = arith.constant 128 : i32
        %mul3A_269 = arith.muli %add3A_191, %mul3A_268 : i32
        %add3A_270 = arith.constant 64 : i32
        %add3A_271 = arith.addi %mul3A_269, %add3A_270 : i32
        %get3A_272 = arith.index_cast %add3A_271 : i32 to index
        %get3A_273 = tpu.vector_load %arg5[%get3A_272] {strides = array<i32>} : memref<25600xi32, #tpu.memory_space<vmem>>, vector<16xi32>,
        %shift_right_logical3A_274 = arith.constant 1 : i32
        %shift_right_logical3A_275 = vector.broadcast %shift_right_logical3A_274 : i32 to vector<16xi32>
        %shift_right_logical3A_276 = arith.shrui %get3A_273, %shift_right_logical3A_275 : vector<16xi32>
        %swap3A_277 = arith.constant 64 : index
        %swap3A_278 = tpu.vector_load %arg6[%swap3A_277] {strides = array<i32>} : memref<128xi32, #tpu.memory_space<vmem>>, vector<16xi32>,
        tpu.vector_store %arg6[%swap3A_277], %shift_right_logical3A_276 {strides = array<i32>} : memref<128xi32, #tpu.memory_space<vmem>>, vector<16xi32>,
        %and3A_279 = arith.constant 1 : i32
        %and3A_280 = vector.broadcast %and3A_279 : i32 to vector<16xi32>
        %and3A_281 = arith.andi %get3A_273, %and3A_280 : vector<16xi32>
        %shift_left3A_282 = arith.constant 6 : i32
        %shift_left3A_283 = vector.broadcast %shift_left3A_282 : i32 to vector<16xi32>
        %shift_left3A_284 = arith.shli %and3A_281, %shift_left3A_283 : vector<16xi32>
        %swap3A_285 = arith.constant 64 : index
        %swap3A_286 = tpu.vector_load %arg8[%swap3A_285] {strides = array<i32>} : memref<128xi32, #tpu.memory_space<vmem>>, vector<16xi32>,
        tpu.vector_store %arg8[%swap3A_285], %shift_left3A_284 {strides = array<i32>} : memref<128xi32, #tpu.memory_space<vmem>>, vector<16xi32>,
        %mul3A_287 = arith.constant 128 : i32
        %mul3A_288 = arith.muli %add3A_191, %mul3A_287 : i32
        %add3A_289 = arith.constant 80 : i32
        %add3A_290 = arith.addi %mul3A_288, %add3A_289 : i32
        %get3A_291 = arith.index_cast %add3A_290 : i32 to index
        %get3A_292 = tpu.vector_load %arg5[%get3A_291] {strides = array<i32>} : memref<25600xi32, #tpu.memory_space<vmem>>, vector<16xi32>,
        %shift_right_logical3A_293 = arith.constant 1 : i32
        %shift_right_logical3A_294 = vector.broadcast %shift_right_logical3A_293 : i32 to vector<16xi32>
        %shift_right_logical3A_295 = arith.shrui %get3A_292, %shift_right_logical3A_294 : vector<16xi32>
        %swap3A_296 = arith.constant 80 : index
        %swap3A_297 = tpu.vector_load %arg6[%swap3A_296] {strides = array<i32>} : memref<128xi32, #tpu.memory_space<vmem>>, vector<16xi32>,
        tpu.vector_store %arg6[%swap3A_296], %shift_right_logical3A_295 {strides = array<i32>} : memref<128xi32, #tpu.memory_space<vmem>>, vector<16xi32>,
        %and3A_298 = arith.constant 1 : i32
        %and3A_299 = vector.broadcast %and3A_298 : i32 to vector<16xi32>
        %and3A_300 = arith.andi %get3A_292, %and3A_299 : vector<16xi32>
        %shift_left3A_301 = arith.constant 6 : i32
        %shift_left3A_302 = vector.broadcast %shift_left3A_301 : i32 to vector<16xi32>
        %shift_left3A_303 = arith.shli %and3A_300, %shift_left3A_302 : vector<16xi32>
        %swap3A_304 = arith.constant 80 : index
        %swap3A_305 = tpu.vector_load %arg8[%swap3A_304] {strides = array<i32>} : memref<128xi32, #tpu.memory_space<vmem>>, vector<16xi32>,
        tpu.vector_store %arg8[%swap3A_304], %shift_left3A_303 {strides = array<i32>} : memref<128xi32, #tpu.memory_space<vmem>>, vector<16xi32>,
        %mul3A_306 = arith.constant 128 : i32
        %mul3A_307 = arith.muli %add3A_191, %mul3A_306 : i32
        %add3A_308 = arith.constant 96 : i32
        %add3A_309 = arith.addi %mul3A_307, %add3A_308 : i32
        %get3A_310 = arith.index_cast %add3A_309 : i32 to index
        %get3A_311 = tpu.vector_load %arg5[%get3A_310] {strides = array<i32>} : memref<25600xi32, #tpu.memory_space<vmem>>, vector<16xi32>,
        %shift_right_logical3A_312 = arith.constant 1 : i32
        %shift_right_logical3A_313 = vector.broadcast %shift_right_logical3A_312 : i32 to vector<16xi32>
        %shift_right_logical3A_314 = arith.shrui %get3A_311, %shift_right_logical3A_313 : vector<16xi32>
        %swap3A_315 = arith.constant 96 : index
        %swap3A_316 = tpu.vector_load %arg6[%swap3A_315] {strides = array<i32>} : memref<128xi32, #tpu.memory_space<vmem>>, vector<16xi32>,
        tpu.vector_store %arg6[%swap3A_315], %shift_right_logical3A_314 {strides = array<i32>} : memref<128xi32, #tpu.memory_space<vmem>>, vector<16xi32>,
        %and3A_317 = arith.constant 1 : i32
        %and3A_318 = vector.broadcast %and3A_317 : i32 to vector<16xi32>
        %and3A_319 = arith.andi %get3A_311, %and3A_318 : vector<16xi32>
        %shift_left3A_320 = arith.constant 6 : i32
        %shift_left3A_321 = vector.broadcast %shift_left3A_320 : i32 to vector<16xi32>
        %shift_left3A_322 = arith.shli %and3A_319, %shift_left3A_321 : vector<16xi32>
        %swap3A_323 = arith.constant 96 : index
        %swap3A_324 = tpu.vector_load %arg8[%swap3A_323] {strides = array<i32>} : memref<128xi32, #tpu.memory_space<vmem>>, vector<16xi32>,
        tpu.vector_store %arg8[%swap3A_323], %shift_left3A_322 {strides = array<i32>} : memref<128xi32, #tpu.memory_space<vmem>>, vector<16xi32>,
        %mul3A_325 = arith.constant 128 : i32
        %mul3A_326 = arith.muli %add3A_191, %mul3A_325 : i32
        %add3A_327 = arith.constant 112 : i32
        %add3A_328 = arith.addi %mul3A_326, %add3A_327 : i32
        %get3A_329 = arith.index_cast %add3A_328 : i32 to index
        %get3A_330 = tpu.vector_load %arg5[%get3A_329] {strides = array<i32>} : memref<25600xi32, #tpu.memory_space<vmem>>, vector<16xi32>,
        %shift_right_logical3A_331 = arith.constant 1 : i32
        %shift_right_logical3A_332 = vector.broadcast %shift_right_logical3A_331 : i32 to vector<16xi32>
        %shift_right_logical3A_333 = arith.shrui %get3A_330, %shift_right_logical3A_332 : vector<16xi32>
        %swap3A_334 = arith.constant 112 : index
        %swap3A_335 = tpu.vector_load %arg6[%swap3A_334] {strides = array<i32>} : memref<128xi32, #tpu.memory_space<vmem>>, vector<16xi32>,
        tpu.vector_store %arg6[%swap3A_334], %shift_right_logical3A_333 {strides = array<i32>} : memref<128xi32, #tpu.memory_space<vmem>>, vector<16xi32>,
        %and3A_336 = arith.constant 1 : i32
        %and3A_337 = vector.broadcast %and3A_336 : i32 to vector<16xi32>
        %and3A_338 = arith.andi %get3A_330, %and3A_337 : vector<16xi32>
        %shift_left3A_339 = arith.constant 6 : i32
        %shift_left3A_340 = vector.broadcast %shift_left3A_339 : i32 to vector<16xi32>
        %shift_left3A_341 = arith.shli %and3A_338, %shift_left3A_340 : vector<16xi32>
        %swap3A_342 = arith.constant 112 : index
        %swap3A_343 = tpu.vector_load %arg8[%swap3A_342] {strides = array<i32>} : memref<128xi32, #tpu.memory_space<vmem>>, vector<16xi32>,
        tpu.vector_store %arg8[%swap3A_342], %shift_left3A_341 {strides = array<i32>} : memref<128xi32, #tpu.memory_space<vmem>>, vector<16xi32>,
        %dma_start3A_344 = arith.constant 0 : i32
        %dma_start3A_345 = arith.constant 0 : i32
        %dma_start3A_346 = tpu.memref_slice %arg3[%dma_start3A_344, %dma_start3A_345] : memref<500000x128xf32, #tpu.memory_space<hbm>> -> memref<500000x128xf32, #tpu.memory_space<hbm>>
        tpu.enqueue_indirect_dma source(%dma_start3A_346 : memref<500000x128xf32, #tpu.memory_space<hbm>>) target(%arg10 : memref<128x128xf32, #tpu.memory_space<vmem>>) offsets(%arg6 : memref<128xi32, #tpu.memory_space<vmem>>) semaphore(%arg14 : memref<!tpu.dma_semaphore, #tpu.memory_space<semaphore_mem>>)
      } else {
      }
      %dma_wait3A_172 = arith.constant 0 : i32
      %dma_wait3A_173 = arith.constant 0 : i32
      %dma_wait3A_174 = tpu.memref_slice %arg3[%dma_wait3A_172, %dma_wait3A_173] : memref<500000x128xf32, #tpu.memory_space<hbm>> -> memref<500000x128xf32, #tpu.memory_space<hbm>>
      tpu.wait_indirect_dma semaphore(%arg15 : memref<!tpu.dma_semaphore, #tpu.memory_space<semaphore_mem>>) src(%dma_wait3A_174 : memref<500000x128xf32, #tpu.memory_space<hbm>>) dst(%arg11 : memref<128x128xf32, #tpu.memory_space<vmem>>)
      %ge3A_175 = arith.constant 2 : i32
      %ge3A_176 = arith.cmpi sge, %add3A_164, %ge3A_175 : i32
      %convert_element_type3A_177 = arith.extui %ge3A_176 : i1 to i32
      %cond3A_178 = arith.constant 0 : i32
      %cond3A_179 = arith.cmpi ne, %convert_element_type3A_177, %cond3A_178 : i32
      scf.if %cond3A_179 {
        %dma_wait3A_190 = arith.constant 0 : i32
        %dma_wait3A_191 = arith.constant 0 : i32
        %dma_wait3A_192 = tpu.memref_slice %arg4[%dma_wait3A_190, %dma_wait3A_191] : memref<819200x64xf32, #tpu.memory_space<hbm>> -> memref<128x64xf32, #tpu.memory_space<hbm>>
        %dma_wait3A_193 = arith.constant 0 : i32
        %dma_wait3A_194 = arith.constant 0 : i32
        %dma_wait3A_195 = tpu.memref_slice %arg4[%dma_wait3A_193, %dma_wait3A_194] : memref<819200x64xf32, #tpu.memory_space<hbm>> -> memref<128x64xf32, #tpu.memory_space<hbm>>
        tpu.wait_dma2 semaphore(%arg17 : memref<!tpu.dma_semaphore, #tpu.memory_space<semaphore_mem>>) src(%arg13 : memref<128x64xf32, #tpu.memory_space<vmem>>) dst(%dma_wait3A_195 : memref<128x64xf32, #tpu.memory_space<hbm>>)
      } else {
      }
      %parallel_loop3A_180 = arith.constant 0 : i32
      %parallel_loop3A_181 = arith.constant 128 : i32
      %parallel_loop3A_182 = arith.constant 1 : i32
      scf.for %parallel_loop3A_190 = %parallel_loop3A_180 to %parallel_loop3A_181 step %parallel_loop3A_182  : i32 {
        %parallel_loop3A_191 = vector.broadcast %parallel_loop3A_190 : i32 to vector<16xi32>
        %parallel_loop3A_192 = tpu.vector_load_idx %arg9[%parallel_loop3A_191] : memref<128xi32, #tpu.memory_space<vmem>>[vector<16xi32>], vector<16xi32>,
        %parallel_loop3A_193 = arith.constant 0 : i32
        %parallel_loop3A_194 = vector.broadcast %parallel_loop3A_193 : i32 to vector<16xi32>
        %parallel_loop3A_195 = arith.addi %parallel_loop3A_194, %iota3A : vector<16xi32>
        %parallel_loop3A_196 = arith.addi %parallel_loop3A_192, %parallel_loop3A_195 : vector<16xi32>
        %parallel_loop3A_197 = tpu.vector_load_idx %arg11[%parallel_loop3A_191, %parallel_loop3A_196] : memref<128x128xf32, #tpu.memory_space<vmem>>[vector<16xi32>, vector<16xi32>], vector<16xf32>,
        %parallel_loop3A_198 = arith.index_cast %parallel_loop3A_190 : i32 to index
        %parallel_loop3A_199 = arith.constant 0 : index
        %parallel_loop3A_200 = tpu.vector_load %arg13[%parallel_loop3A_198, %parallel_loop3A_199] {strides = array<i32>} : memref<128x64xf32, #tpu.memory_space<vmem>>, vector<16xf32>,
        tpu.vector_store %arg13[%parallel_loop3A_198, %parallel_loop3A_199], %parallel_loop3A_197 {strides = array<i32>} : memref<128x64xf32, #tpu.memory_space<vmem>>, vector<16xf32>,
        %parallel_loop3A_201 = arith.constant 16 : i32
        %parallel_loop3A_202 = vector.broadcast %parallel_loop3A_201 : i32 to vector<16xi32>
        %parallel_loop3A_203 = arith.addi %parallel_loop3A_202, %iota3A : vector<16xi32>
        %parallel_loop3A_204 = arith.addi %parallel_loop3A_192, %parallel_loop3A_203 : vector<16xi32>
        %parallel_loop3A_205 = tpu.vector_load_idx %arg11[%parallel_loop3A_191, %parallel_loop3A_204] : memref<128x128xf32, #tpu.memory_space<vmem>>[vector<16xi32>, vector<16xi32>], vector<16xf32>,
        %parallel_loop3A_206 = arith.index_cast %parallel_loop3A_190 : i32 to index
        %parallel_loop3A_207 = arith.constant 16 : index
        %parallel_loop3A_208 = tpu.vector_load %arg13[%parallel_loop3A_206, %parallel_loop3A_207] {strides = array<i32>} : memref<128x64xf32, #tpu.memory_space<vmem>>, vector<16xf32>,
        tpu.vector_store %arg13[%parallel_loop3A_206, %parallel_loop3A_207], %parallel_loop3A_205 {strides = array<i32>} : memref<128x64xf32, #tpu.memory_space<vmem>>, vector<16xf32>,
        %parallel_loop3A_209 = arith.constant 32 : i32
        %parallel_loop3A_210 = vector.broadcast %parallel_loop3A_209 : i32 to vector<16xi32>
        %parallel_loop3A_211 = arith.addi %parallel_loop3A_210, %iota3A : vector<16xi32>
        %parallel_loop3A_212 = arith.addi %parallel_loop3A_192, %parallel_loop3A_211 : vector<16xi32>
        %parallel_loop3A_213 = tpu.vector_load_idx %arg11[%parallel_loop3A_191, %parallel_loop3A_212] : memref<128x128xf32, #tpu.memory_space<vmem>>[vector<16xi32>, vector<16xi32>], vector<16xf32>,
        %parallel_loop3A_214 = arith.index_cast %parallel_loop3A_190 : i32 to index
        %parallel_loop3A_215 = arith.constant 32 : index
        %parallel_loop3A_216 = tpu.vector_load %arg13[%parallel_loop3A_214, %parallel_loop3A_215] {strides = array<i32>} : memref<128x64xf32, #tpu.memory_space<vmem>>, vector<16xf32>,
        tpu.vector_store %arg13[%parallel_loop3A_214, %parallel_loop3A_215], %parallel_loop3A_213 {strides = array<i32>} : memref<128x64xf32, #tpu.memory_space<vmem>>, vector<16xf32>,
        %parallel_loop3A_217 = arith.constant 48 : i32
        %parallel_loop3A_218 = vector.broadcast %parallel_loop3A_217 : i32 to vector<16xi32>
        %parallel_loop3A_219 = arith.addi %parallel_loop3A_218, %iota3A : vector<16xi32>
        %parallel_loop3A_220 = arith.addi %parallel_loop3A_192, %parallel_loop3A_219 : vector<16xi32>
        %parallel_loop3A_221 = tpu.vector_load_idx %arg11[%parallel_loop3A_191, %parallel_loop3A_220] : memref<128x128xf32, #tpu.memory_space<vmem>>[vector<16xi32>, vector<16xi32>], vector<16xf32>,
        %parallel_loop3A_222 = arith.index_cast %parallel_loop3A_190 : i32 to index
        %parallel_loop3A_223 = arith.constant 48 : index
        %parallel_loop3A_224 = tpu.vector_load %arg13[%parallel_loop3A_222, %parallel_loop3A_223] {strides = array<i32>} : memref<128x64xf32, #tpu.memory_space<vmem>>, vector<16xf32>,
        tpu.vector_store %arg13[%parallel_loop3A_222, %parallel_loop3A_223], %parallel_loop3A_221 {strides = array<i32>} : memref<128x64xf32, #tpu.memory_space<vmem>>, vector<16xf32>,
      } {sc.loop_unroll_factor = 4 : i64, sc.parallel_access}
      %mul3A_183 = arith.constant 128 : i32
      %mul3A_184 = arith.muli %add3A_164, %mul3A_183 : i32
      %add3A_185 = arith.addi %mul3A_2, %mul3A_184 : i32
      %dma_start3A_186 = arith.constant 0 : i32
      %dma_start3A_187 = tpu.memref_slice %arg4[%add3A_185, %dma_start3A_186] : memref<819200x64xf32, #tpu.memory_space<hbm>> -> memref<128x64xf32, #tpu.memory_space<hbm>>
      %dma_start3A_188 = arith.constant 0 : i32
      %dma_start3A_189 = tpu.memref_slice %arg4[%add3A_185, %dma_start3A_188] : memref<819200x64xf32, #tpu.memory_space<hbm>> -> memref<128x64xf32, #tpu.memory_space<hbm>>
      tpu.enqueue_dma source(%arg13 : memref<128x64xf32, #tpu.memory_space<vmem>>) target(%dma_start3A_189 : memref<128x64xf32, #tpu.memory_space<hbm>>) target_semaphore(%arg17 : memref<!tpu.dma_semaphore, #tpu.memory_space<semaphore_mem>>)
    }
    %scan3A_124 = arith.constant 100 : i32
    %dma_wait3A = arith.constant 0 : i32
    %dma_wait3A_125 = arith.constant 0 : i32
    %dma_wait3A_126 = tpu.memref_slice %arg4[%dma_wait3A, %dma_wait3A_125] : memref<819200x64xf32, #tpu.memory_space<hbm>> -> memref<128x64xf32, #tpu.memory_space<hbm>>
    %dma_wait3A_127 = arith.constant 0 : i32
    %dma_wait3A_128 = arith.constant 0 : i32
    %dma_wait3A_129 = tpu.memref_slice %arg4[%dma_wait3A_127, %dma_wait3A_128] : memref<819200x64xf32, #tpu.memory_space<hbm>> -> memref<128x64xf32, #tpu.memory_space<hbm>>
    tpu.wait_dma2 semaphore(%arg16 : memref<!tpu.dma_semaphore, #tpu.memory_space<semaphore_mem>>) src(%arg12 : memref<128x64xf32, #tpu.memory_space<vmem>>) dst(%dma_wait3A_129 : memref<128x64xf32, #tpu.memory_space<hbm>>)
    %dma_wait3A_130 = arith.constant 0 : i32
    %dma_wait3A_131 = arith.constant 0 : i32
    %dma_wait3A_132 = tpu.memref_slice %arg4[%dma_wait3A_130, %dma_wait3A_131] : memref<819200x64xf32, #tpu.memory_space<hbm>> -> memref<128x64xf32, #tpu.memory_space<hbm>>
    %dma_wait3A_133 = arith.constant 0 : i32
    %dma_wait3A_134 = arith.constant 0 : i32
    %dma_wait3A_135 = tpu.memref_slice %arg4[%dma_wait3A_133, %dma_wait3A_134] : memref<819200x64xf32, #tpu.memory_space<hbm>> -> memref<128x64xf32, #tpu.memory_space<hbm>>
    tpu.wait_dma2 semaphore(%arg17 : memref<!tpu.dma_semaphore, #tpu.memory_space<semaphore_mem>>) src(%arg13 : memref<128x64xf32, #tpu.memory_space<vmem>>) dst(%dma_wait3A_135 : memref<128x64xf32, #tpu.memory_space<hbm>>)
    return
  }
}

</mosaic_0001>

<sc_bundles>
// kernel: kernel.3.cloned.1.call-start
scs
__scs_entry_jumppad:
0x0: {  	(pc) =	sbr.rel $0x88, $3  }
0x1: {  	(tag) =	ssettag $0x0;
	lr =	simm.s32 $0x1  }
0x2: {  	[smem:$0x3F9F] =	sst lr;
	_ =	strace $0xD0000000  }
0x3: {  	_ = 	snop  }
0x4: {  	_ = 	snop  }
0x5: {  	_ = 	snop  }
0x6: {  	_ = 	snop  }
0x7: {  	_ = 	snop  }
__scs_overlays_trampoline_lowered:
0x8: {  	[smem:$0x3FAE] =	sst s0  }
0x9: {  	[smem:$0x3FAF] =	sst s1  }
0xa: {  	[smem:$0x3FB0] =	sst s2  }
0xb: {  	[smem:$0x3FB1] =	sst s3  }
0xc: {  	[smem:$0x3FB2] =	sst s4  }
0xd: {  	[smem:$0x3FB3] =	sst s5  }
0xe: {  	[smem:$0x3FB4] =	sst s6  }
0xf: {  	[smem:$0x3FB5] =	sst s7  }
0x10: {  	[smem:$0x3FB6] =	sst s8  }
0x11: {  	[smem:$0x3FB7] =	sst s9;
	s0 =	simm.s32 @!p0 $0x0  }
0x12: {  	s1 =	sld [smem:$0x3F9D];
	s0 =	simm.s32 @p0 $0x1  }
0x13: {  	[smem:$0x3FB8] =	sst s0;
	s0 =	simm.s32 @!p1 $0x0  }
0x14: {  	s2 =	sld [smem:$0x3F9C];
	s0 =	simm.s32 @p1 $0x1  }
0x15: {  	[smem:$0x3FB9] =	sst s0;
	s0 =	simm.s32 @!p2 $0x0  }
0x16: {  	s3 =	sld [smem:$0x3FDB];
	s0 =	simm.s32 @p2 $0x1  }
0x17: {  	s4 =	simm.s32 $0x1BF5;
	[smem:$0x3FBB] =	sst s0  }
0x18: {  	s0 =	sld [smem:$0x3F9E];
	_ =	swait.ge [sflag:s4], $0x0  }
0x19: {  	s7 =	sld [smem:$0x3F9F]  }
0x1a: {  	s8 =	sadd.s32 $0xFFFFE003, lr  }
0x1b: {  	s9 =	sadd.s32 $0xFFFFFEF7, lr;
	s5 =	simm.s32 $0xFFFFFFFF;
	p2 =	slt.u32 s8, $0xFFFFF086  }
0x1c: {  	p1 =	slt.u32 s9, $0xF7A;
	s5 =	simm.s32 @!p2 $0x0  }
0x1d: {  	s5 =	simm.s32 @p1 $0x1;
	p0 =	seq.s32 s7, s2  }
0x1e: {  	s7 =	smul.u32 @!p0 $0xF7A, s2;
	p2 =	seq.s32 @!p0 s5, $0x0  }
0x1f: {  	s9 =	smul.u32 $0xF7A, s1;
	s8 =	simm.s32 @!p0 $0x1BF5;
	p2 =	por !p2, p0  }
0x20: {  	[sflag:s8] =	ssyncset.s32 @!p0 $0xFFFFF086;
	s6 =	sadd.s32 @!p0 s3, s7;
	s7 =	simm.s32 @!p0 $0x108  }
0x21: {  	s3 =	sadd.s32 s3, s9;
	s6 =	sadd.s32 @!p0 $0x88, s6;
	s7 =	simm.s32 @p2 $0x1082  }
0x22: {  	[simem:s7], [sflag:s8] =	dma.local @!p0 [hbm:s6], $0xF7A  }
0x23: {  	s9 =	sor.u32 $0xD0000000, s2;
	s6 =	simm.s32 $0x108;
	_ =	swait.ge @!p0 [sflag:s8], $0x0  }
0x24: {  	s3 =	sadd.s32 $0x88, s3;
	s6 =	simm.s32 @!p1 $0x1082;
	[sflag:s4] =	ssyncset.s32 $0xFFFFF086  }
0x25: {  	[simem:s6], [sflag:s4] =	dma.local [hbm:s3], $0xF7A  }
0x26: {  	[smem:$0x3F9F] =	sst s1;
	(tag) =	ssettag s2;
	_ =	strace s9  }
0x27: {  	s1 =	sld [smem:$0x3FAF]  }
0x28: {  	s2 =	sld [smem:$0x3FB0]  }
0x29: {  	s4 =	sld [smem:$0x3FB2]  }
0x2a: {  	p0 =	seq.s32 s5, $0x0;
	s5 =	sld [smem:$0x3FB3]  }
0x2b: {  	s6 =	sld [smem:$0x3FB4]  }
0x2c: {  	s7 =	sld [smem:$0x3FB5]  }
0x2d: {  	s3 =	simm.s32 $0x108;
	s8 =	sld [smem:$0x3FB6]  }
0x2e: {  	s3 =	simm.s32 @!p0 $0x1082;
	s9 =	sld [smem:$0x3FB7]  }
0x2f: {  	lr =	sadd.s32 s0, s3;
	s0 =	sld [smem:$0x3FAE]  }
0x30: {  	s3 =	sld [smem:$0x3FB1]  }
0x31: {  	[smem:$0x3FBA] =	sst s10  }
0x32: {  	s10 =	sld [smem:$0x3FB8];
	_ =	sdelay $0x3  }
0x33: {  	p0 =	seq.s32 s10, $0x1;
	s10 =	sld [smem:$0x3FBA];
	_ =	sdelay $0x3  }
0x34: {  	[smem:$0x3FBA] =	sst s10  }
0x35: {  	s10 =	sld [smem:$0x3FB9];
	_ =	sdelay $0x3  }
0x36: {  	p1 =	seq.s32 s10, $0x1;
	s10 =	sld [smem:$0x3FBA];
	_ =	sdelay $0x3  }
0x37: {  	[smem:$0x3FBA] =	sst s10  }
0x38: {  	s10 =	sld [smem:$0x3FBB]  }
0x39: {  	_ = 	snop;
	(pc) =	sbr.ind lr, $3  }
0x3a: {  	_ = 	snop  }
0x3b: {  	_ = 	snop  }
0x3c: {  	p2 =	seq.s32 s10, $0x1;
	s10 =	sld [smem:$0x3FBA]  }
0x3d: {  	_ =	shalt  }
0x3e: {  	_ =	shalt  }
0x3f: {  	_ =	shalt  }
0x40: {  	_ =	shalt  }
0x41: {  	_ =	shalt  }
0x42: {  	_ =	shalt  }
0x43: {  	_ =	shalt  }
0x44: {  	_ =	shalt  }
0x45: {  	_ =	shalt  }
0x46: {  	_ =	shalt  }
0x47: {  	_ =	shalt  }
0x48: {  	_ =	shalt  }
0x49: {  	_ =	shalt  }
0x4a: {  	_ =	shalt  }
0x4b: {  	_ =	shalt  }
0x4c: {  	_ =	shalt  }
0x4d: {  	_ =	shalt  }
0x4e: {  	_ =	shalt  }
0x4f: {  	_ =	shalt  }
0x50: {  	_ =	shalt  }
0x51: {  	_ =	shalt  }
0x52: {  	_ =	shalt  }
0x53: {  	_ =	shalt  }
0x54: {  	_ =	shalt  }
0x55: {  	_ =	shalt  }
0x56: {  	_ =	shalt  }
0x57: {  	_ =	shalt  }
0x58: {  	_ =	shalt  }
0x59: {  	_ =	shalt  }
0x5a: {  	_ =	shalt  }
0x5b: {  	_ =	shalt  }
0x5c: {  	_ =	shalt  }
0x5d: {  	_ =	shalt  }
0x5e: {  	_ =	shalt  }
0x5f: {  	_ =	shalt  }
0x60: {  	_ =	shalt  }
0x61: {  	_ =	shalt  }
0x62: {  	_ =	shalt  }
0x63: {  	_ =	shalt  }
0x64: {  	_ =	shalt  }
0x65: {  	_ =	shalt  }
0x66: {  	_ =	shalt  }
0x67: {  	_ =	shalt  }
0x68: {  	_ =	shalt  }
0x69: {  	_ =	shalt  }
0x6a: {  	_ =	shalt  }
0x6b: {  	_ =	shalt  }
0x6c: {  	_ =	shalt  }
0x6d: {  	_ =	shalt  }
0x6e: {  	_ =	shalt  }
0x6f: {  	_ =	shalt  }
0x70: {  	_ =	shalt  }
0x71: {  	_ =	shalt  }
0x72: {  	_ =	shalt  }
0x73: {  	_ =	shalt  }
0x74: {  	_ =	shalt  }
0x75: {  	_ =	shalt  }
0x76: {  	_ =	shalt  }
0x77: {  	_ =	shalt  }
0x78: {  	_ =	shalt  }
0x79: {  	_ =	shalt  }
0x7a: {  	_ =	shalt  }
0x7b: {  	_ =	shalt  }
0x7c: {  	_ =	shalt  }
0x7d: {  	_ =	shalt  }
0x7e: {  	_ =	shalt  }
0x7f: {  	_ =	shalt  }
0x80: {  	_ =	shalt  }
0x81: {  	_ =	shalt  }
0x82: {  	_ =	shalt  }
0x83: {  	_ =	shalt  }
0x84: {  	_ =	shalt  }
0x85: {  	_ =	shalt  }
0x86: {  	_ =	shalt  }
0x87: {  	_ =	shalt  }
.Lfunc_end0:
.L_simem_size_0:
called_computation.1_lowered:
.L_overlay_start_0:
0x88: {  	s2 =	sld [smem:$0x3FD9]  }
0x89: {  	s3 =	sld [smem:$0x3FFE];
	_ =	sdelay $0x1  }
0x8a: {  	s1 =	srdreg.scid  }
0x8b: {  	s0 =	sand.u32 $0x1, s1  }
0x8c: {  	s17 =	sshll.u32 s0, $0xA;
	s2 =	sadd.s32 s3, s2  }
0x8d: {  	s2 =	sadd.s32 s2, s17  }
0x8e: {  	[smem:$0x3FC6] =	sst s2  }
0x8f: {  	_ = 	snop  }
0x90: {  	s2 =	sld [smem:$0x3FD0];
	(tm) =	ssettm $0x1  }
0x91: {  	s18 =	sld [smem:$0x3FFB];
	_ =	sdelay $0x3  }
0x92: {  	_ =	strace s18  }
0x93: {  	s3 =	sld [smem:$0x3FFC];
	_ =	sdelay $0x3  }
0x94: {  	_ =	strace s3  }
0x95: {  	s3 =	sld [smem:$0x3FFD];
	_ =	sdelay $0x3  }
0x96: {  	_ =	strace s3  }
0x97: {  	_ =	strace $0x8FFFFFFF  }
0x98: {  	s19 =	sld [smem:$0x3FDB];
	_ =	sdelay $0x1  }
0x99: {  	s4 =	simm.s32 $_scs_section_size  }
0x9a: {  	s5 =	simm.s32 $_size__tile_overlayer_lowered;
	s6 =	simm.s32 $_tile_overlayer_lowered  }
0x9b: {  	s22 =	simm.s32 $0x1BFF;
	s21 =	sshll.u32 s6, $0x1;
	s3 =	sadd.s32 s4, s19  }
0x9c: {  	s7 =	simm.s32 $0x0;
	s20 =	sshll.u32 s5, $0x1;
	s5 =	sadd.s32 s21, s3  }
0x9d: {  	[timem:s7], [sflag:s22] =	dma.local [hbm:s5], s20  }
0x9e: {  	_ =	swait.ge [sflag:s22], s20  }
0x9f: {  	s4 =	ssub.s32 $0x0, s20;
	[sflag:s22] =	ssyncset.done $0x0  }
0xa0: {  	[sflag:s22] =	ssyncadd.s32 s4;
	_ =	sdelay $0x1  }
0xa1: {  	s23 =	simm.s32 $0x1B8B  }
0xa2: {  	_ =	swait.ge [sflag:s23], $0x1  }
0xa3: {  	[sflag:s23] =	ssyncset.done $0x0  }
0xa4: {  	s25 =	simm.s32 $0x1B8E;
	s24 =	sld [smem:$0x3FFE];
	[sflag:s23] =	ssyncadd.s32 $0xFFFFFFFF  }
0xa5: {  	s26 =	simm.s32 $execute0_lowered;
	[smem:$0x3FD2] =	sst s25  }
0xa6: {  	s5 =	sshll.u32 s26, $0x1;
	_ =	strace $0x80000046;
	[dreg:$0x1] =	wrdreg $0xFFFFFFFF  }
0xa7: {  	s28 =	simm.s32 $_size_execute0_lowered;
	s3 =	sadd.s32 s3, s5;
	[dreg:$0x0] =	wrdreg $0x0  }
0xa8: {  	s5 =	sshll.u32 s28, $0x1;
	[dreg:$0x2] =	wrdreg s3  }
0xa9: {  	[dreg:$0x3] =	wrdreg s5  }
0xaa: {  	[dreg:$0x4] =	wrdreg $0xC0  }
0xab: {  	_ =	task [dreg:s7], $0x5FFFF  }
0xac: {  	[dreg:$0x1] =	wrdreg $0xFFFFFFFF  }
0xad: {  	[dreg:$0x0] =	wrdreg $0x60  }
0xae: {  	[dreg:$0x2] =	wrdreg s2  }
0xaf: {  	[dreg:$0x3] =	wrdreg s24  }
0xb0: {  	[dreg:$0x4] =	wrdreg $0x9  }
0xb1: {  	_ =	task.clear_ibuf [dreg:s7], $0x5FFFF;
	_ =	strace $0x90000046  }
0xb2: {  	s29 =	simm.s32 $0x9;
	_ =	strace $0x80000048  }
0xb3: {  	_ =	swait.ge [sflag:s29], $0x1  }
0xb4: {  	[sflag:s29] =	ssyncadd.s32 $0xFFFFFFFF  }
0xb5: {  	_ =	strace $0x90000048  }
0xb6: {  	_ =	sfence  }
0xb7: {  	s30 =	sld [smem:$0x0];
	_ =	sdelay $0x2  }
0xb8: {  	s31 =	sshll.u32 s1, $0xD;
	s1 =	sshrl.u32 s1, $0x2  }
0xb9: {  	s3 =	sand.u32 $0x4000, s31;
	s1 =	sadd.s32 s1, s30  }
0xba: {  	s0 =	sor.u32 s3, s0;
	s1 =	sshll.u32 s1, $0x11  }
0xbb: {  	s0 =	sor.u32 s1, s0  }
0xbc: {  	s0 =	sadd.s32 $0x8F2B, s0  }
0xbd: {  	[sflag:s0] =	ssyncadd.remote.s32 $0x1  }
0xbe: {  	_ =	sfence.sel $0xFFFF  }
0xbf: {  	[dreg:$0x0] =	wrdreg $0xFFFFFFFF;
	(pc) =	sbr.abs _section_cstart, $3  }
0xc0: {  	[dreg:$0x1] =	wrdreg $0xFFFFFFFF  }
0xc1: {  	_ =	task.clear_ibuf [dreg:s7], $0x2FFFF;
	_ =	strace $0x9FFFFFFF  }
0xc2: {  	(tm) =	ssettm $0x7FFFFFFF  }
0xc3: {  	_ =	shalt  }
tec
execute0_lowered:
.L_overlay_start_1:
0x0: {  	(tag) =	ssettag $0x1  }
0x1: {  	s5 =	rddreg [dreg:$0x0]  }
0x2: {  	s4 =	rddreg [dreg:$0x1]  }
0x3: {  	s0 =	rddreg [dreg:$0x2]  }
0x4: {  	s3 =	srdreg.scid;
	s1 =	stileid.u32  }
0x5: {  	s2 =	simm.s32 $0x0;
	s10 =	simm.s32 $0x6400;
	s11 =	simm.s32 $0x6600  }
0x6: {  	s12 =	simm.s32 $0x6480;
	s13 =	simm.s32 $0xA600;
	s14 =	simm.s32 $0x1  }
0x7: {  	s15 =	simm.s32 $0x6500;
	s16 =	simm.s32 $0xE600;
	s17 =	simm.s32 $0x2  }
0x8: {  	s18 =	simm.s32 $0x4;
	s19 =	simm.s32 $0x6580;
	s20 =	simm.s32 $0x12600  }
0x9: {  	s21 =	simm.s32 $0x3;
	s22 =	simm.s32 $0x0;
	s3 =	sand.u32 $0x1, s3  }
0xa: {  	s6 =	sshll.u32 s1, $0x1;
	[smem:$0x7FF] =	sst s2;
	s7 =	ssub.s32 $0x2, s3  }
0xb: {  	s6 =	sor.u32 s3, s6;
	_ =	strace $0x80000047;
	s3 =	sadd.s32 $0xF42E00, s4  }
0xc: {  	s4 =	sadd.s32 $0xA00, s4;
	s8 =	sshrl.u32 s7, $0x1;
	s9 =	smul.u32 $0xC80, s6  }
0xd: {  	v0 =	vlaneseq.u32;
	s6 =	smul.u32 $0x320000, s6;
	s7 =	ssub.s32 s7, s8;
	s8 =	simm.s32 $0x5  }
0xe: {  	v1 =	vor.u32 $0x10, v0;
	v2 =	vor.u32 $0x20, v0;
	v3 =	vor.u32 $0x30, v0;
	s5 =	sadd.s32 s5, s9;
	s7 =	smax.u32 s7, $0x1;
	s9 =	simm.s32 $0x80  }
.LBB2_1:
0xf: {  	[tilespmem:s2], [sflag:$0x5] =	stream.linear.gather [hbm4b:s5+s2], $0x6400, $0x38;
	[tilespmem:$0x16600] =	vst v63  }
0x10: {  	_ =	swait.ge [sflag:s8], $0x6400  }
0x11: {  	[sflag:s8] =	ssyncset.done $0x0  }
0x12: {  	[sflag:s8] =	ssyncadd.s32 $0xFFFF9C00  }
0x13: {  	v4 =	vld [tilespmem:$0x0];
	_ =	sdelay $0x1  }
0x14: {  	v5 =	vld [tilespmem:$0x10];
	_ =	sdelay $0x1  }
0x15: {  	v6 =	vld [tilespmem:$0x20]  }
0x16: {  	v7 =	vshrl.u32 v4, $0x1;
	v4 =	vshll.u32 v4, $0x6  }
0x17: {  	v60 =	vld [tilespmem:$0x30];
	[tilespmem:$0x6400] =	vst v7;
	v4 =	vand.u32 $0x40, v4  }
0x18: {  	[tilespmem:$0x6500] =	vst v4;
	v4 =	vshrl.u32 v5, $0x1;
	v5 =	vshll.u32 v5, $0x6  }
0x19: {  	[tilespmem:$0x6410] =	vst v4;
	v4 =	vand.u32 $0x40, v5;
	v5 =	vld [tilespmem:$0x40]  }
0x1a: {  	[tilespmem:$0x6510] =	vst v4;
	v4 =	vshrl.u32 v6, $0x1;
	v6 =	vshll.u32 v6, $0x6  }
0x1b: {  	v61 =	vld [tilespmem:$0x50];
	[tilespmem:$0x6420] =	vst v4;
	v4 =	vand.u32 $0x40, v6  }
0x1c: {  	v7 =	vshll.u32 v60, $0x6;
	[tilespmem:$0x6520] =	vst v4;
	v4 =	vshrl.u32 v60, $0x1  }
0x1d: {  	v62 =	vld [tilespmem:$0x60];
	[tilespmem:$0x6430] =	vst v4;
	v4 =	vand.u32 $0x40, v7  }
0x1e: {  	[tilespmem:$0x6530] =	vst v4;
	v4 =	vshrl.u32 v5, $0x1;
	v5 =	vshll.u32 v5, $0x6  }
0x1f: {  	[tilespmem:$0x6440] =	vst v4;
	v4 =	vand.u32 $0x40, v5;
	v5 =	vld [tilespmem:$0x70]  }
0x20: {  	v6 =	vshll.u32 v61, $0x6;
	[tilespmem:$0x6540] =	vst v4;
	v4 =	vshrl.u32 v61, $0x1  }
0x21: {  	[tilespmem:$0x6450] =	vst v4;
	v4 =	vand.u32 $0x40, v6  }
0x22: {  	v63 =	vshll.u32 v62, $0x6;
	[tilespmem:$0x6550] =	vst v4;
	v4 =	vshrl.u32 v62, $0x1  }
0x23: {  	[tilespmem:$0x6460] =	vst v4;
	v4 =	vand.u32 $0x40, v63  }
0x24: {  	[tilespmem:$0x6560] =	vst v4;
	v4 =	vshrl.u32 v5, $0x1;
	v5 =	vshll.u32 v5, $0x6  }
0x25: {  	[tilespmem:$0x6470] =	vst v4;
	v4 =	vand.u32 $0x40, v5  }
0x26: {  	s23 =	simm.s32 $0x0;
	[tilespmem:$0x6570] =	vst v4  }
0x27: {  	[tilespmem:s11], [sflag:$0x1] =	stream.indirect.gather [hbm4b:s3+s9], $0x80, s10, s9, $0xb8;
	[tilespmem:$0x16600] =	vst v63  }
.LBB2_2:
0x28: {  	s24 =	sshllo.u32 s23, $0x1  }
0x29: {  	s25 =	sshll.u32 s24, $0x7  }
0x2a: {  	s25 =	sand.u32 $0x3FFFFF80, s25  }
0x2b: {  	v4 =	vld [tilespmem:s25+$0x0];
	_ =	sdelay $0x4  }
0x2c: {  	v5 =	vshrl.u32 v4, $0x1;
	v4 =	vshll.u32 v4, $0x6  }
0x2d: {  	[tilespmem:$0x6480] =	vst v5;
	v4 =	vand.u32 $0x40, v4  }
0x2e: {  	[tilespmem:$0x6580] =	vst v4  }
0x2f: {  	v4 =	vld [tilespmem:s25+$0x10];
	_ =	sdelay $0x4  }
0x30: {  	v5 =	vshrl.u32 v4, $0x1;
	v4 =	vshll.u32 v4, $0x6  }
0x31: {  	[tilespmem:$0x6490] =	vst v5;
	v4 =	vand.u32 $0x40, v4  }
0x32: {  	[tilespmem:$0x6590] =	vst v4  }
0x33: {  	v4 =	vld [tilespmem:s25+$0x20];
	_ =	sdelay $0x4  }
0x34: {  	v5 =	vshrl.u32 v4, $0x1;
	v4 =	vshll.u32 v4, $0x6  }
0x35: {  	[tilespmem:$0x64A0] =	vst v5;
	v4 =	vand.u32 $0x40, v4  }
0x36: {  	[tilespmem:$0x65A0] =	vst v4  }
0x37: {  	v4 =	vld [tilespmem:s25+$0x30];
	_ =	sdelay $0x4  }
0x38: {  	v5 =	vshrl.u32 v4, $0x1;
	v4 =	vshll.u32 v4, $0x6  }
0x39: {  	[tilespmem:$0x64B0] =	vst v5;
	v4 =	vand.u32 $0x40, v4  }
0x3a: {  	[tilespmem:$0x65B0] =	vst v4  }
0x3b: {  	v4 =	vld [tilespmem:s25+$0x40];
	_ =	sdelay $0x4  }
0x3c: {  	v5 =	vshrl.u32 v4, $0x1;
	v4 =	vshll.u32 v4, $0x6  }
0x3d: {  	[tilespmem:$0x64C0] =	vst v5;
	v4 =	vand.u32 $0x40, v4  }
0x3e: {  	[tilespmem:$0x65C0] =	vst v4  }
0x3f: {  	v4 =	vld [tilespmem:s25+$0x50];
	_ =	sdelay $0x4  }
0x40: {  	v5 =	vshrl.u32 v4, $0x1;
	v4 =	vshll.u32 v4, $0x6  }
0x41: {  	[tilespmem:$0x64D0] =	vst v5;
	v4 =	vand.u32 $0x40, v4  }
0x42: {  	[tilespmem:$0x65D0] =	vst v4  }
0x43: {  	v4 =	vld [tilespmem:s25+$0x60];
	_ =	sdelay $0x4  }
0x44: {  	v5 =	vshrl.u32 v4, $0x1;
	v4 =	vshll.u32 v4, $0x6  }
0x45: {  	[tilespmem:$0x64E0] =	vst v5;
	v4 =	vand.u32 $0x40, v4  }
0x46: {  	[tilespmem:$0x65E0] =	vst v4  }
0x47: {  	v4 =	vld [tilespmem:s25+$0x70];
	_ =	sdelay $0x4  }
0x48: {  	v5 =	vshrl.u32 v4, $0x1;
	v4 =	vshll.u32 v4, $0x6  }
0x49: {  	[tilespmem:$0x64F0] =	vst v5;
	v4 =	vand.u32 $0x40, v4  }
0x4a: {  	[tilespmem:$0x65F0] =	vst v4  }
0x4b: {  	[tilespmem:s13], [sflag:$0x2] =	stream.indirect.gather [hbm4b:s3+s9], $0x80, s12, s9, $0xb8;
	[tilespmem:$0x16600] =	vst v63  }
0x4c: {  	s31 =	simm.s32 $0x0;
	_ =	swait.ge [sflag:s14], $0x4000  }
0x4d: {  	p0 =	seq.s32 s23, $0x0;
	s26 =	simm.s32 $0x1;
	v4 =	vmov s31;
	[sflag:s14] =	ssyncset.done $0x0  }
0x4e: {  	s29 =	simm.s32 $0x3;
	v6 =	vmov s26;
	s25 =	simm.s32 @!p0 $0x3;
	[sflag:s14] =	ssyncadd.s32 $0xFFFFC000  }
0x4f: {  	s28 =	simm.s32 $0x2;
	v11 =	vmov s29;
	_ =	swait.ge @!p0 [sflag:s25], $0x4000  }
0x50: {  	v12 =	vmov s28;
	[sflag:s25] =	ssyncset.done @!p0 $0x0  }
0x51: {  	[sflag:s25] =	ssyncadd.s32 @!p0 $0xFFFFC000  }
0x52: {  	v5 =	vld.idx.msk [tilespmem:v4+s15+$0x0], $0xffff  }
0x53: {  	v9 =	vld.idx.msk [tilespmem:v6+s15+$0x0], $0xffff  }
0x54: {  	v7 =	vld.idx.msk [tilespmem:v11+s15+$0x0], $0xffff  }
0x55: {  	v10 =	vld.idx.msk [tilespmem:v12+s15+$0x0], $0xffff;
	_ =	sdelay $0x1  }
0x56: {  	v8 =	vshll.u32 v6, $0x7  }
0x57: {  	v4 =	vshll.u32 v4, $0x7;
	v6 =	vshll.u32 v12, $0x7;
	v11 =	vshll.u32 v11, $0x7  }
0x58: {  	v13 =	vadd.s32 v0, v5;
	v12 =	vadd.s32 v0, v9;
	v15 =	vadd.s32 v0, v7  }
0x59: {  	v16 =	vadd.s32 v0, v10;
	v14 =	vand.u32 $0xFFFFFF80, v13;
	v17 =	vand.u32 $0x7F, v12  }
0x5a: {  	v18 =	vand.u32 $0xFFFFFF80, v15;
	v12 =	vand.u32 $0xFFFFFF80, v12;
	v15 =	vand.u32 $0x7F, v15  }
0x5b: {  	v19 =	vand.u32 $0xFFFFFF80, v16;
	v16 =	vand.u32 $0x7F, v16;
	v18 =	vadd.s32 v11, v18  }
0x5c: {  	v13 =	vand.u32 $0x7F, v13;
	v12 =	vadd.s32 v8, v12;
	v15 =	vor.u32 v15, v18  }
0x5d: {  	v14 =	vadd.s32 v4, v14;
	v12 =	vor.u32 v17, v12;
	v17 =	vadd.s32 v6, v19  }
0x5e: {  	v21 =	vadd.s32 v1, v10;
	v13 =	vor.u32 v13, v14;
	v16 =	vor.u32 v16, v17  }
0x5f: {  	v14 =	vadd.s32 v1, v5;
	v18 =	vadd.s32 v1, v9;
	v19 =	vadd.s32 v1, v7  }
0x60: {  	v17 =	vand.u32 $0xFFFFFF80, v14;
	v20 =	vand.u32 $0x7F, v18;
	v22 =	vand.u32 $0xFFFFFF80, v19  }
0x61: {  	v18 =	vand.u32 $0xFFFFFF80, v18;
	v19 =	vand.u32 $0x7F, v19;
	v22 =	vadd.s32 v11, v22;
	v15 =	vld.idx.msk [tilespmem:v15+s11+$0x0], $0xffff  }
0x62: {  	v19 =	vor.u32 v19, v22;
	v23 =	vld.idx.msk [tilespmem:v12+s11+$0x0], $0xffff;
	v12 =	vadd.s32 v8, v18;
	v18 =	vand.u32 $0xFFFFFF80, v21  }
0x63: {  	v16 =	vld.idx.msk [tilespmem:v16+s11+$0x0], $0xffff;
	v20 =	vor.u32 v20, v12;
	v12 =	vand.u32 $0x7F, v21;
	v18 =	vadd.s32 v6, v18  }
0x64: {  	s31 =	simm.s32 $0x6;
	v14 =	vand.u32 $0x7F, v14;
	v17 =	vadd.s32 v4, v17;
	v24 =	vld.idx.msk [tilespmem:v13+s11+$0x0], $0xffff;
	v25 =	vor.u32 v12, v18  }
0x65: {  	s30 =	simm.s32 $0x4;
	s25 =	simm.s32 $0xE700;
	v26 =	vor.u32 v14, v17;
	v14 =	vmov s31;
	v22 =	vadd.s32 v2, v10  }
0x66: {  	s28 =	simm.s32 $0x5;
	v13 =	vmov s30;
	v21 =	vadd.s32 v2, v5;
	[tilespmem:s25+$0x80] =	vst v15;
	v15 =	vadd.s32 v2, v7  }
0x67: {  	v12 =	vmov s28;
	[tilespmem:s25+$0xFFFFFF80] =	vst v23;
	v23 =	vadd.s32 v2, v9;
	v18 =	vld.idx.msk [tilespmem:v19+s11+$0x0], $0xffff;
	v19 =	vand.u32 $0xFFFFFF80, v15  }
0x68: {  	v17 =	vld.idx.msk [tilespmem:v20+s11+$0x0], $0xffff;
	v20 =	vand.u32 $0xFFFFFF80, v23;
	[tilespmem:s25+$0x0] =	vst v16;
	v16 =	vand.u32 $0x7F, v15;
	v19 =	vadd.s32 v11, v19  }
0x69: {  	[tilespmem:s25+$0xFFFFFF00] =	vst v24;
	v24 =	vand.u32 $0x7F, v23;
	v20 =	vadd.s32 v8, v20;
	v15 =	vld.idx.msk [tilespmem:v25+s11+$0x0], $0xffff;
	v19 =	vor.u32 v16, v19  }
0x6a: {  	s26 =	simm.s32 $0x8;
	s28 =	simm.s32 $0x7;
	v23 =	vand.u32 $0xFFFFFF80, v21;
	v16 =	vld.idx.msk [tilespmem:v26+s11+$0x0], $0xffff;
	v20 =	vor.u32 v24, v20;
	v24 =	vand.u32 $0xFFFFFF80, v22  }
.LBB2_3:
0x6b: {  	p1 =	slt.u32 s26, $0x7C;
	v25 =	vld.idx.msk [tilespmem:v13+s15+$0x0], $0xffff;
	v26 =	vmov s28;
	v22 =	vand.u32 $0x7F, v22;
	v24 =	vadd.s32 v6, v24  }
0x6c: {  	v21 =	vand.u32 $0x7F, v21;
	v23 =	vadd.s32 v4, v23;
	v27 =	vld.idx.msk [tilespmem:v12+s15+$0x0], $0xffff;
	v22 =	vor.u32 v22, v24  }
0x6d: {  	v7 =	vadd.s32 v3, v7;
	v21 =	vor.u32 v21, v23;
	v24 =	vld.idx.msk [tilespmem:v14+s15+$0x0], $0xffff;
	[tilespmem:s25+$0x90] =	vst v18  }
0x6e: {  	v9 =	vadd.s32 v3, v9;
	v10 =	vadd.s32 v3, v10;
	v18 =	vand.u32 $0xFFFFFF80, v7;
	[tilespmem:s25+$0xFFFFFF90] =	vst v17;
	v17 =	vld.idx.msk [tilespmem:v19+s11+$0x0], $0xffff  }
0x6f: {  	v11 =	vadd.s32 v11, v18;
	v19 =	vld.idx.msk [tilespmem:v20+s11+$0x0], $0xffff;
	v20 =	vand.u32 $0xFFFFFF80, v9;
	[tilespmem:s25+$0x10] =	vst v15;
	v15 =	vand.u32 $0x7F, v7  }
0x70: {  	v23 =	vand.u32 $0x7F, v9;
	v7 =	vld.idx.msk [tilespmem:v26+s15+$0x0], $0xffff;
	[tilespmem:s25+$0xFFFFFF10] =	vst v16;
	v8 =	vadd.s32 v8, v20;
	v11 =	vor.u32 v15, v11  }
0x71: {  	v15 =	vadd.s32 v3, v5;
	v5 =	vmovc v25;
	v16 =	vor.u32 v23, v8;
	v18 =	vld.idx.msk [tilespmem:v22+s11+$0x0], $0xffff;
	v8 =	vand.u32 $0xFFFFFF80, v10  }
0x72: {  	v22 =	vand.u32 $0x7F, v10;
	v9 =	vmovc v27;
	v20 =	vld.idx.msk [tilespmem:v21+s11+$0x0], $0xffff;
	v21 =	vand.u32 $0xFFFFFF80, v15;
	v6 =	vadd.s32 v6, v8  }
0x73: {  	v8 =	vand.u32 $0x7F, v15;
	v10 =	vmovc v24;
	v15 =	vadd.s32 v4, v21;
	v21 =	vor.u32 v22, v6  }
0x74: {  	v22 =	vadd.s32 v0, v5;
	v4 =	vshll.u32 v13, $0x7;
	v13 =	vor.u32 v8, v15;
	[tilespmem:s25+$0xA0] =	vst v17  }
0x75: {  	v6 =	vshll.u32 v14, $0x7;
	v15 =	vand.u32 $0xFFFFFF80, v22;
	v8 =	vshll.u32 v12, $0x7;
	[tilespmem:s25+$0xFFFFFFA0] =	vst v19;
	v12 =	vld.idx.msk [tilespmem:v11+s11+$0x0], $0xffff  }
0x76: {  	v14 =	vadd.s32 v0, v9;
	v17 =	vadd.s32 v0, v10;
	v19 =	vadd.s32 v0, v7;
	v16 =	vld.idx.msk [tilespmem:v16+s11+$0x0], $0xffff  }
0x77: {  	v23 =	vand.u32 $0x7F, v14;
	v11 =	vshll.u32 v26, $0x7;
	v24 =	vand.u32 $0xFFFFFF80, v19;
	[tilespmem:s25+$0x20] =	vst v18  }
0x78: {  	v14 =	vand.u32 $0xFFFFFF80, v14;
	v18 =	vand.u32 $0x7F, v19;
	v19 =	vadd.s32 v11, v24;
	[tilespmem:s25+$0xFFFFFF20] =	vst v20;
	v20 =	vld.idx.msk [tilespmem:v21+s11+$0x0], $0xffff  }
0x79: {  	v14 =	vadd.s32 v8, v14;
	v21 =	vand.u32 $0xFFFFFF80, v17;
	v18 =	vor.u32 v18, v19;
	v13 =	vld.idx.msk [tilespmem:v13+s11+$0x0], $0xffff  }
0x7a: {  	v14 =	vor.u32 v23, v14;
	v17 =	vand.u32 $0x7F, v17;
	v19 =	vadd.s32 v6, v21  }
0x7b: {  	v15 =	vadd.s32 v4, v15;
	v21 =	vand.u32 $0x7F, v22;
	v17 =	vor.u32 v17, v19;
	[tilespmem:s25+$0xB0] =	vst v12  }
0x7c: {  	v12 =	vor.u32 v21, v15;
	v15 =	vadd.s32 v1, v5;
	[tilespmem:s25+$0xFFFFFFB0] =	vst v16  }
0x7d: {  	v19 =	vadd.s32 v1, v9;
	v21 =	vadd.s32 v1, v7;
	v16 =	vand.u32 $0xFFFFFF80, v15  }
0x7e: {  	v23 =	vadd.s32 v1, v10;
	v22 =	vand.u32 $0x7F, v19;
	v24 =	vand.u32 $0xFFFFFF80, v21;
	v18 =	vld.idx.msk [tilespmem:v18+s11+$0x0], $0xffff;
	[tilespmem:s25+$0x30] =	vst v20  }
0x7f: {  	v20 =	vld.idx.msk [tilespmem:v14+s11+$0x0], $0xffff;
	v14 =	vand.u32 $0xFFFFFF80, v19;
	v19 =	vand.u32 $0x7F, v21;
	v21 =	vadd.s32 v11, v24;
	[tilespmem:s25+$0xFFFFFF30] =	vst v13  }
0x80: {  	v13 =	vadd.s32 v8, v14;
	v24 =	vld.idx.msk [tilespmem:v17+s11+$0x0], $0xffff;
	v14 =	vand.u32 $0xFFFFFF80, v23;
	v17 =	vor.u32 v19, v21  }
0x81: {  	v19 =	vld.idx.msk [tilespmem:v12+s11+$0x0], $0xffff;
	v25 =	vor.u32 v22, v13;
	v12 =	vand.u32 $0x7F, v23;
	v13 =	vadd.s32 v6, v14  }
0x82: {  	s28 =	sadd.s32 $0x1, s26;
	v14 =	vand.u32 $0x7F, v15;
	v15 =	vadd.s32 v4, v16;
	v16 =	vor.u32 v12, v13  }
0x83: {  	s25 =	sadd.s32 $0x200, s25;
	v13 =	vmov s26;
	v12 =	vmov s28;
	s28 =	sadd.s32 $0x2, s26;
	v23 =	vor.u32 v14, v15  }
.Ltmp0:
0x84: {  	v21 =	vadd.s32 v2, v5;
	v15 =	vadd.s32 v2, v7;
	v14 =	vmov s28;
	[tilespmem:s25+$0x80] =	vst v18;
	(pc) =	sbr.rel @p1 .LBB2_3-.Ltmp0, $4  }
0x85: {  	v22 =	vadd.s32 v2, v10;
	v26 =	vand.u32 $0xFFFFFF80, v15;
	[tilespmem:s25+$0xFFFFFF80] =	vst v20;
	v20 =	vadd.s32 v2, v9;
	v18 =	vld.idx.msk [tilespmem:v17+s11+$0x0], $0xffff  }
0x86: {  	v26 =	vadd.s32 v11, v26;
	v17 =	vld.idx.msk [tilespmem:v25+s11+$0x0], $0xffff;
	v25 =	vand.u32 $0xFFFFFF80, v20;
	[tilespmem:s25+$0x0] =	vst v24;
	v24 =	vand.u32 $0x7F, v15  }
0x87: {  	v20 =	vand.u32 $0x7F, v20;
	[tilespmem:s25+$0xFFFFFF00] =	vst v19;
	v25 =	vadd.s32 v8, v25;
	v15 =	vld.idx.msk [tilespmem:v16+s11+$0x0], $0xffff;
	v19 =	vor.u32 v24, v26  }
0x88: {  	s28 =	sadd.s32 $0x3, s26;
	s26 =	sadd.s32 $0x4, s26;
	v24 =	vand.u32 $0xFFFFFF80, v22;
	v16 =	vld.idx.msk [tilespmem:v23+s11+$0x0], $0xffff;
	v23 =	vand.u32 $0xFFFFFF80, v21;
	v20 =	vor.u32 v20, v25  }
0x89: {  	_ = 	snop  }
0x8a: {  	v25 =	vmov s28;
	v22 =	vand.u32 $0x7F, v22  }
0x8b: {  	v24 =	vadd.s32 v6, v24;
	v21 =	vand.u32 $0x7F, v21;
	v23 =	vadd.s32 v4, v23  }
0x8c: {  	v38 =	vadd.s32 v3, v7;
	v9 =	vadd.s32 v3, v9;
	v10 =	vadd.s32 v3, v10  }
0x8d: {  	v26 =	vld.idx.msk [tilespmem:v12+s15+$0x0], $0xffff;
	v5 =	vadd.s32 v3, v5;
	v12 =	vshll.u32 v12, $0x7;
	v22 =	vor.u32 v22, v24  }
0x8e: {  	v21 =	vor.u32 v21, v23;
	v39 =	vand.u32 $0xFFFFFF80, v38;
	v27 =	vand.u32 $0xFFFFFF80, v9  }
0x8f: {  	v7 =	vld.idx.msk [tilespmem:v13+s15+$0x0], $0xffff;
	v23 =	vand.u32 $0x7F, v38;
	v9 =	vand.u32 $0x7F, v9;
	v40 =	vand.u32 $0xFFFFFF80, v10  }
0x90: {  	v41 =	vand.u32 $0xFFFFFF80, v5;
	v10 =	vand.u32 $0x7F, v10;
	v5 =	vand.u32 $0x7F, v5  }
0x91: {  	v11 =	vadd.s32 v11, v39;
	v8 =	vadd.s32 v8, v27;
	v42 =	vadd.s32 v6, v40  }
0x92: {  	v24 =	vld.idx.msk [tilespmem:v14+s15+$0x0], $0xffff;
	v4 =	vadd.s32 v4, v41;
	v11 =	vor.u32 v23, v11;
	v8 =	vor.u32 v9, v8  }
0x93: {  	v6 =	vor.u32 v10, v42;
	v10 =	vshll.u32 v13, $0x7;
	v4 =	vor.u32 v5, v4  }
0x94: {  	v13 =	vshll.u32 v14, $0x7;
	v43 =	vadd.s32 v0, v7;
	v44 =	vadd.s32 v0, v26  }
0x95: {  	v23 =	vld.idx.msk [tilespmem:v25+s15+$0x0], $0xffff;
	v25 =	vshll.u32 v25, $0x7;
	v50 =	vadd.s32 v1, v7;
	v51 =	vadd.s32 v1, v26  }
0x96: {  	v63 =	vadd.s32 v2, v7;
	v34 =	vadd.s32 v2, v26;
	v5 =	vand.u32 $0xFFFFFF80, v43  }
0x97: {  	v45 =	vadd.s32 v0, v24;
	v29 =	vand.u32 $0x7F, v44;
	v14 =	vand.u32 $0xFFFFFF80, v44  }
0x98: {  	v9 =	vand.u32 $0x7F, v43;
	v52 =	vand.u32 $0xFFFFFF80, v50;
	v54 =	vand.u32 $0x7F, v51  }
0x99: {  	v14 =	vadd.s32 v12, v14;
	v31 =	vand.u32 $0xFFFFFF80, v45;
	v46 =	vand.u32 $0x7F, v45  }
0x9a: {  	v14 =	vor.u32 v29, v14;
	v47 =	vadd.s32 v13, v31;
	v28 =	vadd.s32 v0, v23  }
0x9b: {  	[tilespmem:s25+$0x90] =	vst v18;
	v5 =	vadd.s32 v10, v5;
	v18 =	vor.u32 v46, v47;
	v30 =	vand.u32 $0xFFFFFF80, v28  }
0x9c: {  	[tilespmem:s25+$0xFFFFFF90] =	vst v17;
	v48 =	vld.idx.msk [tilespmem:v19+s11+$0x0], $0xffff;
	v5 =	vor.u32 v9, v5;
	v28 =	vand.u32 $0x7F, v28;
	v30 =	vadd.s32 v25, v30  }
0x9d: {  	v49 =	vld.idx.msk [tilespmem:v20+s11+$0x0], $0xffff;
	[tilespmem:s25+$0x10] =	vst v15;
	v55 =	vadd.s32 v1, v24;
	v20 =	vand.u32 $0xFFFFFF80, v51;
	v28 =	vor.u32 v28, v30  }
0x9e: {  	v57 =	vld.idx.msk [tilespmem:v22+s11+$0x0], $0xffff;
	v35 =	vadd.s32 v2, v24;
	v37 =	vand.u32 $0xFFFFFF80, v34;
	v20 =	vadd.s32 v12, v20  }
0x9f: {  	v61 =	vand.u32 $0xFFFFFF80, v55;
	v15 =	vand.u32 $0x7F, v55;
	v27 =	vadd.s32 v10, v52;
	v14 =	vld.idx.msk [tilespmem:v14+s11+$0x0], $0xffff  }
0xa0: {  	v62 =	vadd.s32 v13, v61;
	v20 =	vor.u32 v54, v20;
	v53 =	vadd.s32 v1, v23;
	v18 =	vld.idx.msk [tilespmem:v18+s11+$0x0], $0xffff  }
0xa1: {  	[tilespmem:s25+$0xFFFFFF10] =	vst v16;
	v9 =	vand.u32 $0x7F, v50;
	v15 =	vor.u32 v15, v62;
	v56 =	vand.u32 $0xFFFFFF80, v53;
	v5 =	vld.idx.msk [tilespmem:v5+s11+$0x0], $0xffff  }
0xa2: {  	[tilespmem:s25+$0xA0] =	vst v48;
	v9 =	vor.u32 v9, v27;
	v58 =	vand.u32 $0x7F, v53;
	v59 =	vadd.s32 v25, v56;
	v60 =	vld.idx.msk [tilespmem:v28+s11+$0x0], $0xffff  }
0xa3: {  	s26 =	sadd.s32 $0x200, s25;
	v38 =	vld.idx.msk [tilespmem:v21+s11+$0x0], $0xffff;
	v43 =	vand.u32 $0xFFFFFF80, v63;
	v19 =	vand.u32 $0x7F, v63;
	[tilespmem:s25+$0xFFFFFFA0] =	vst v49;
	v22 =	vor.u32 v58, v59  }
0xa4: {  	v51 =	vadd.s32 v3, v26;
	v42 =	vadd.s32 v12, v37;
	v48 =	vadd.s32 v10, v43;
	[tilespmem:s26+$0xFFFFFF80] =	vst v14  }
0xa5: {  	v46 =	vand.u32 $0xFFFFFF80, v35;
	v33 =	vadd.s32 v2, v23;
	v28 =	vand.u32 $0x7F, v34;
	[tilespmem:s26+$0x0] =	vst v18;
	v44 =	vld.idx.msk [tilespmem:v20+s11+$0x0], $0xffff  }
0xa6: {  	v16 =	vand.u32 $0x7F, v35;
	v47 =	vadd.s32 v13, v46;
	[tilespmem:s26+$0xFFFFFF00] =	vst v5;
	v45 =	vor.u32 v28, v42;
	v5 =	vld.idx.msk [tilespmem:v15+s11+$0x0], $0xffff  }
0xa7: {  	v52 =	vadd.s32 v3, v24;
	v36 =	vand.u32 $0xFFFFFF80, v33;
	v9 =	vld.idx.msk [tilespmem:v9+s11+$0x0], $0xffff;
	v15 =	vor.u32 v16, v47;
	[tilespmem:s26+$0x80] =	vst v60  }
0xa8: {  	v49 =	vor.u32 v19, v48;
	[tilespmem:s25+$0x20] =	vst v57;
	v39 =	vand.u32 $0x7F, v33;
	v40 =	vadd.s32 v25, v36;
	v41 =	vld.idx.msk [tilespmem:v22+s11+$0x0], $0xffff  }
0xa9: {  	v17 =	vand.u32 $0x7F, v51;
	v11 =	vld.idx.msk [tilespmem:v11+s11+$0x0], $0xffff;
	v50 =	vadd.s32 v3, v23;
	[tilespmem:s25+$0xFFFFFF20] =	vst v38;
	v21 =	vor.u32 v39, v40  }
0xaa: {  	v61 =	vand.u32 $0x7F, v52;
	v8 =	vld.idx.msk [tilespmem:v8+s11+$0x0], $0xffff;
	v23 =	vand.u32 $0xFFFFFF80, v50;
	v53 =	vand.u32 $0xFFFFFF80, v51;
	[tilespmem:s26+$0xFFFFFF90] =	vst v44  }
0xab: {  	v12 =	vadd.s32 v12, v53;
	v58 =	vand.u32 $0xFFFFFF80, v52;
	v56 =	vld.idx.msk [tilespmem:v45+s11+$0x0], $0xffff;
	[tilespmem:s26+$0x10] =	vst v5;
	v5 =	vadd.s32 v3, v7  }
0xac: {  	v57 =	vor.u32 v17, v12;
	v12 =	vadd.s32 v13, v58;
	[tilespmem:s26+$0xFFFFFF10] =	vst v9;
	v59 =	vld.idx.msk [tilespmem:v15+s11+$0x0], $0xffff;
	v60 =	vand.u32 $0xFFFFFF80, v5  }
0xad: {  	v12 =	vor.u32 v61, v12;
	v62 =	vld.idx.msk [tilespmem:v49+s11+$0x0], $0xffff;
	v5 =	vand.u32 $0x7F, v5;
	v10 =	vadd.s32 v10, v60;
	[tilespmem:s26+$0x90] =	vst v41  }
0xae: {  	v19 =	vand.u32 $0x7F, v50;
	v23 =	vadd.s32 v25, v23;
	[tilespmem:s25+$0xB0] =	vst v11;
	v5 =	vor.u32 v5, v10;
	v54 =	vld.idx.msk [tilespmem:v21+s11+$0x0], $0xffff  }
0xaf: {  	v6 =	vld.idx.msk [tilespmem:v6+s11+$0x0], $0xffff;
	v55 =	vor.u32 v19, v23;
	[tilespmem:s25+$0xFFFFFFB0] =	vst v8  }
0xb0: {  	v4 =	vld.idx.msk [tilespmem:v4+s11+$0x0], $0xffff;
	[tilespmem:s26+$0xFFFFFFA0] =	vst v56  }
0xb1: {  	v7 =	vld.idx.msk [tilespmem:v57+s11+$0x0], $0xffff;
	[tilespmem:s26+$0x20] =	vst v59  }
0xb2: {  	[tilespmem:s26+$0xFFFFFF20] =	vst v62;
	v9 =	vld.idx.msk [tilespmem:v12+s11+$0x0], $0xffff  }
0xb3: {  	v5 =	vld.idx.msk [tilespmem:v5+s11+$0x0], $0xffff;
	[tilespmem:s26+$0xA0] =	vst v54  }
0xb4: {  	[tilespmem:s25+$0x30] =	vst v6;
	v63 =	vld.idx.msk [tilespmem:v55+s11+$0x0], $0xffff  }
0xb5: {  	p1 =	sne.s32 s23, $0x63;
	[tilespmem:s25+$0xFFFFFF30] =	vst v4  }
.Ltmp1:
0xb6: {  	s31 =	sshll.u32 s23, $0xF;
	[tilespmem:s26+$0xFFFFFFB0] =	vst v7;
	(pc) =	sbr.rel @p1 .LBB2_6-.Ltmp1, $4  }
0xb7: {  	s25 =	sadd.s32 s6, s31;
	[tilespmem:s26+$0x30] =	vst v9  }
0xb8: {  	s25 =	sshrl.u32 s25, $0x3;
	[tilespmem:s26+$0xFFFFFF30] =	vst v5  }
0xb9: {  	s25 =	sadd.s32 s4, s25;
	[tilespmem:s26+$0xB0] =	vst v63  }
0xba: {  	[hbm4b:s25+s2] =	stream.linear.scatter [tilespmem:s16], [sflag:$0x3], $0x4000, $0x38;
	[tilespmem:$0x16600] =	vst v63  }
.Ltmp2:
0xbb: {  	(pc) =	sbr.rel .LBB2_7-.Ltmp2, $4  }
0xbc: {  	_ = 	snop  }
0xbd: {  	_ =	swait.ge [sflag:s17], $0x4000  }
0xbe: {  	[sflag:s17] =	ssyncset.done $0x0  }
0xbf: {  	[sflag:s17] =	ssyncadd.s32 $0xFFFFC000  }
.LBB2_6:
0xc0: {  	s25 =	sshll.u32 s23, $0x8  }
0xc1: {  	s25 =	sand.u32 $0x3FFFFF00, s25  }
0xc2: {  	v4 =	vld [tilespmem:s25+$0x100];
	_ =	sdelay $0x4  }
0xc3: {  	v5 =	vshrl.u32 v4, $0x1;
	v4 =	vshll.u32 v4, $0x6  }
0xc4: {  	[tilespmem:$0x6400] =	vst v5;
	v4 =	vand.u32 $0x40, v4  }
0xc5: {  	[tilespmem:$0x6500] =	vst v4  }
0xc6: {  	v4 =	vld [tilespmem:s25+$0x110];
	_ =	sdelay $0x4  }
0xc7: {  	v5 =	vshrl.u32 v4, $0x1;
	v4 =	vshll.u32 v4, $0x6  }
0xc8: {  	[tilespmem:$0x6410] =	vst v5;
	v4 =	vand.u32 $0x40, v4  }
0xc9: {  	[tilespmem:$0x6510] =	vst v4  }
0xca: {  	v4 =	vld [tilespmem:s25+$0x120];
	_ =	sdelay $0x4  }
0xcb: {  	v5 =	vshrl.u32 v4, $0x1;
	v4 =	vshll.u32 v4, $0x6  }
0xcc: {  	[tilespmem:$0x6420] =	vst v5;
	v4 =	vand.u32 $0x40, v4  }
0xcd: {  	[tilespmem:$0x6520] =	vst v4  }
0xce: {  	v4 =	vld [tilespmem:s25+$0x130];
	_ =	sdelay $0x4  }
0xcf: {  	v5 =	vshrl.u32 v4, $0x1;
	v4 =	vshll.u32 v4, $0x6  }
0xd0: {  	[tilespmem:$0x6430] =	vst v5;
	v4 =	vand.u32 $0x40, v4  }
0xd1: {  	[tilespmem:$0x6530] =	vst v4  }
0xd2: {  	v4 =	vld [tilespmem:s25+$0x140];
	_ =	sdelay $0x4  }
0xd3: {  	v5 =	vshrl.u32 v4, $0x1;
	v4 =	vshll.u32 v4, $0x6  }
0xd4: {  	[tilespmem:$0x6440] =	vst v5;
	v4 =	vand.u32 $0x40, v4  }
0xd5: {  	[tilespmem:$0x6540] =	vst v4  }
0xd6: {  	v4 =	vld [tilespmem:s25+$0x150];
	_ =	sdelay $0x4  }
0xd7: {  	v5 =	vshrl.u32 v4, $0x1;
	v4 =	vshll.u32 v4, $0x6  }
0xd8: {  	[tilespmem:$0x6450] =	vst v5;
	v4 =	vand.u32 $0x40, v4  }
0xd9: {  	[tilespmem:$0x6550] =	vst v4  }
0xda: {  	v4 =	vld [tilespmem:s25+$0x160];
	_ =	sdelay $0x4  }
0xdb: {  	v5 =	vshrl.u32 v4, $0x1;
	v4 =	vshll.u32 v4, $0x6  }
0xdc: {  	[tilespmem:$0x6460] =	vst v5;
	v4 =	vand.u32 $0x40, v4  }
0xdd: {  	[tilespmem:$0x6560] =	vst v4  }
0xde: {  	v4 =	vld [tilespmem:s25+$0x170];
	_ =	sdelay $0x4  }
0xdf: {  	v5 =	vshrl.u32 v4, $0x1;
	v4 =	vshll.u32 v4, $0x6  }
0xe0: {  	[tilespmem:$0x6470] =	vst v5;
	v4 =	vand.u32 $0x40, v4  }
.Ltmp3:
0xe1: {  	[tilespmem:$0x6570] =	vst v4;
	(pc) =	sbr.rel @p0 .LBB2_8-.Ltmp3, $4  }
0xe2: {  	[tilespmem:s11], [sflag:$0x1] =	stream.indirect.gather [hbm4b:s3+s9], $0x80, s10, s9, $0xb8;
	[tilespmem:$0x16600] =	vst v63  }
0xe3: {  	_ =	swait.ge [sflag:s17], $0x4000  }
0xe4: {  	[sflag:s17] =	ssyncset.done $0x0  }
0xe5: {  	[sflag:s17] =	ssyncadd.s32 $0xFFFFC000  }
.LBB2_7:
0xe6: {  	_ =	swait.ge [sflag:s18], $0x4000  }
0xe7: {  	[sflag:s18] =	ssyncset.done $0x0  }
0xe8: {  	[sflag:s18] =	ssyncadd.s32 $0xFFFFC000  }
.LBB2_8:
0xe9: {  	s25 =	simm.s32 $0x0  }
0xea: {  	s26 =	simm.s32 $0x1;
	v4 =	vmov s25  }
0xeb: {  	s29 =	simm.s32 $0x2;
	v6 =	vmov s26  }
0xec: {  	s26 =	simm.s32 $0x3;
	v12 =	vmov s29  }
0xed: {  	v11 =	vmov s26;
	_ =	sdelay $0x1  }
0xee: {  	v5 =	vld.idx.msk [tilespmem:v4+s19+$0x0], $0xffff  }
0xef: {  	v9 =	vld.idx.msk [tilespmem:v6+s19+$0x0], $0xffff  }
0xf0: {  	v10 =	vld.idx.msk [tilespmem:v12+s19+$0x0], $0xffff  }
0xf1: {  	v7 =	vld.idx.msk [tilespmem:v11+s19+$0x0], $0xffff;
	_ =	sdelay $0x1  }
0xf2: {  	v8 =	vshll.u32 v6, $0x7  }
0xf3: {  	v4 =	vshll.u32 v4, $0x7;
	v6 =	vshll.u32 v12, $0x7;
	v11 =	vshll.u32 v11, $0x7  }
0xf4: {  	v13 =	vadd.s32 v0, v5;
	v12 =	vadd.s32 v0, v9;
	v16 =	vadd.s32 v0, v10  }
0xf5: {  	v14 =	vand.u32 $0xFFFFFF80, v13;
	v15 =	vadd.s32 v0, v7;
	v17 =	vand.u32 $0x7F, v12  }
0xf6: {  	v12 =	vand.u32 $0xFFFFFF80, v12;
	v19 =	vand.u32 $0xFFFFFF80, v16;
	v18 =	vand.u32 $0xFFFFFF80, v15  }
0xf7: {  	v16 =	vand.u32 $0x7F, v16;
	v15 =	vand.u32 $0x7F, v15;
	v18 =	vadd.s32 v11, v18  }
0xf8: {  	v13 =	vand.u32 $0x7F, v13;
	v12 =	vadd.s32 v8, v12;
	v15 =	vor.u32 v15, v18  }
0xf9: {  	v14 =	vadd.s32 v4, v14;
	v12 =	vor.u32 v17, v12;
	v17 =	vadd.s32 v6, v19  }
0xfa: {  	v13 =	vor.u32 v13, v14;
	v14 =	vadd.s32 v1, v5;
	v16 =	vor.u32 v16, v17  }
0xfb: {  	v21 =	vadd.s32 v1, v10;
	v19 =	vadd.s32 v1, v7;
	v17 =	vand.u32 $0xFFFFFF80, v14  }
0xfc: {  	v18 =	vadd.s32 v1, v9;
	v22 =	vand.u32 $0xFFFFFF80, v19;
	v19 =	vand.u32 $0x7F, v19  }
0xfd: {  	v20 =	vand.u32 $0x7F, v18;
	v18 =	vand.u32 $0xFFFFFF80, v18;
	v22 =	vadd.s32 v11, v22;
	v15 =	vld.idx.msk [tilespmem:v15+s13+$0x0], $0xffff  }
0xfe: {  	v19 =	vor.u32 v19, v22;
	v23 =	vld.idx.msk [tilespmem:v12+s13+$0x0], $0xffff;
	v12 =	vadd.s32 v8, v18;
	v18 =	vand.u32 $0xFFFFFF80, v21  }
0xff: {  	v16 =	vld.idx.msk [tilespmem:v16+s13+$0x0], $0xffff;
	v20 =	vor.u32 v20, v12;
	v12 =	vand.u32 $0x7F, v21;
	v18 =	vadd.s32 v6, v18  }
0x100: {  	s31 =	simm.s32 $0x6;
	v14 =	vand.u32 $0x7F, v14;
	v17 =	vadd.s32 v4, v17;
	v24 =	vld.idx.msk [tilespmem:v13+s13+$0x0], $0xffff;
	v25 =	vor.u32 v12, v18  }
0x101: {  	s30 =	simm.s32 $0x4;
	s25 =	simm.s32 $0x12700;
	v26 =	vor.u32 v14, v17;
	v14 =	vmov s31;
	v22 =	vadd.s32 v2, v10  }
0x102: {  	s28 =	simm.s32 $0x5;
	v13 =	vmov s30;
	v21 =	vadd.s32 v2, v5;
	[tilespmem:s25+$0x80] =	vst v15;
	v15 =	vadd.s32 v2, v7  }
0x103: {  	v12 =	vmov s28;
	[tilespmem:s25+$0xFFFFFF80] =	vst v23;
	v23 =	vadd.s32 v2, v9;
	v18 =	vld.idx.msk [tilespmem:v19+s13+$0x0], $0xffff;
	v19 =	vand.u32 $0xFFFFFF80, v15  }
0x104: {  	v17 =	vld.idx.msk [tilespmem:v20+s13+$0x0], $0xffff;
	v20 =	vand.u32 $0xFFFFFF80, v23;
	[tilespmem:s25+$0x0] =	vst v16;
	v16 =	vand.u32 $0x7F, v15;
	v19 =	vadd.s32 v11, v19  }
0x105: {  	[tilespmem:s25+$0xFFFFFF00] =	vst v24;
	v24 =	vand.u32 $0x7F, v23;
	v20 =	vadd.s32 v8, v20;
	v15 =	vld.idx.msk [tilespmem:v25+s13+$0x0], $0xffff;
	v19 =	vor.u32 v16, v19  }
0x106: {  	s26 =	simm.s32 $0x8;
	s28 =	simm.s32 $0x7;
	v23 =	vand.u32 $0xFFFFFF80, v21;
	v20 =	vor.u32 v24, v20;
	v24 =	vand.u32 $0xFFFFFF80, v22;
	v16 =	vld.idx.msk [tilespmem:v26+s13+$0x0], $0xffff  }
.LBB2_9:
0x107: {  	p0 =	slt.u32 s26, $0x7C;
	v25 =	vld.idx.msk [tilespmem:v13+s19+$0x0], $0xffff;
	v26 =	vmov s28;
	v22 =	vand.u32 $0x7F, v22;
	v24 =	vadd.s32 v6, v24  }
0x108: {  	v21 =	vand.u32 $0x7F, v21;
	v23 =	vadd.s32 v4, v23;
	v27 =	vld.idx.msk [tilespmem:v12+s19+$0x0], $0xffff;
	v22 =	vor.u32 v22, v24  }
0x109: {  	v7 =	vadd.s32 v3, v7;
	v21 =	vor.u32 v21, v23;
	v24 =	vld.idx.msk [tilespmem:v14+s19+$0x0], $0xffff;
	[tilespmem:s25+$0x90] =	vst v18  }
0x10a: {  	v9 =	vadd.s32 v3, v9;
	v10 =	vadd.s32 v3, v10;
	v18 =	vand.u32 $0xFFFFFF80, v7;
	[tilespmem:s25+$0xFFFFFF90] =	vst v17;
	v17 =	vld.idx.msk [tilespmem:v19+s13+$0x0], $0xffff  }
0x10b: {  	v11 =	vadd.s32 v11, v18;
	v19 =	vld.idx.msk [tilespmem:v20+s13+$0x0], $0xffff;
	v20 =	vand.u32 $0xFFFFFF80, v9;
	[tilespmem:s25+$0x10] =	vst v15;
	v15 =	vand.u32 $0x7F, v7  }
0x10c: {  	v23 =	vand.u32 $0x7F, v9;
	v7 =	vld.idx.msk [tilespmem:v26+s19+$0x0], $0xffff;
	[tilespmem:s25+$0xFFFFFF10] =	vst v16;
	v8 =	vadd.s32 v8, v20;
	v11 =	vor.u32 v15, v11  }
0x10d: {  	v15 =	vadd.s32 v3, v5;
	v5 =	vmovc v25;
	v16 =	vor.u32 v23, v8;
	v18 =	vld.idx.msk [tilespmem:v22+s13+$0x0], $0xffff;
	v8 =	vand.u32 $0xFFFFFF80, v10  }
0x10e: {  	v22 =	vand.u32 $0x7F, v10;
	v9 =	vmovc v27;
	v20 =	vld.idx.msk [tilespmem:v21+s13+$0x0], $0xffff;
	v21 =	vand.u32 $0xFFFFFF80, v15;
	v6 =	vadd.s32 v6, v8  }
0x10f: {  	v8 =	vand.u32 $0x7F, v15;
	v10 =	vmovc v24;
	v15 =	vadd.s32 v4, v21;
	v21 =	vor.u32 v22, v6  }
0x110: {  	v22 =	vadd.s32 v0, v5;
	v4 =	vshll.u32 v13, $0x7;
	v13 =	vor.u32 v8, v15;
	[tilespmem:s25+$0xA0] =	vst v17  }
0x111: {  	v6 =	vshll.u32 v14, $0x7;
	v15 =	vand.u32 $0xFFFFFF80, v22;
	v8 =	vshll.u32 v12, $0x7;
	[tilespmem:s25+$0xFFFFFFA0] =	vst v19;
	v12 =	vld.idx.msk [tilespmem:v11+s13+$0x0], $0xffff  }
0x112: {  	v14 =	vadd.s32 v0, v9;
	v17 =	vadd.s32 v0, v10;
	v19 =	vadd.s32 v0, v7;
	v16 =	vld.idx.msk [tilespmem:v16+s13+$0x0], $0xffff  }
0x113: {  	v23 =	vand.u32 $0x7F, v14;
	v11 =	vshll.u32 v26, $0x7;
	v24 =	vand.u32 $0xFFFFFF80, v19;
	[tilespmem:s25+$0x20] =	vst v18  }
0x114: {  	v14 =	vand.u32 $0xFFFFFF80, v14;
	v18 =	vand.u32 $0x7F, v19;
	v19 =	vadd.s32 v11, v24;
	[tilespmem:s25+$0xFFFFFF20] =	vst v20;
	v20 =	vld.idx.msk [tilespmem:v21+s13+$0x0], $0xffff  }
0x115: {  	v14 =	vadd.s32 v8, v14;
	v21 =	vand.u32 $0xFFFFFF80, v17;
	v18 =	vor.u32 v18, v19;
	v13 =	vld.idx.msk [tilespmem:v13+s13+$0x0], $0xffff  }
0x116: {  	v14 =	vor.u32 v23, v14;
	v17 =	vand.u32 $0x7F, v17;
	v19 =	vadd.s32 v6, v21  }
0x117: {  	v15 =	vadd.s32 v4, v15;
	v21 =	vand.u32 $0x7F, v22;
	v17 =	vor.u32 v17, v19;
	[tilespmem:s25+$0xB0] =	vst v12  }
0x118: {  	v12 =	vor.u32 v21, v15;
	v15 =	vadd.s32 v1, v5;
	[tilespmem:s25+$0xFFFFFFB0] =	vst v16  }
0x119: {  	v19 =	vadd.s32 v1, v9;
	v21 =	vadd.s32 v1, v7;
	v16 =	vand.u32 $0xFFFFFF80, v15  }
0x11a: {  	v23 =	vadd.s32 v1, v10;
	v22 =	vand.u32 $0x7F, v19;
	v24 =	vand.u32 $0xFFFFFF80, v21;
	v18 =	vld.idx.msk [tilespmem:v18+s13+$0x0], $0xffff;
	[tilespmem:s25+$0x30] =	vst v20  }
0x11b: {  	v20 =	vld.idx.msk [tilespmem:v14+s13+$0x0], $0xffff;
	v14 =	vand.u32 $0xFFFFFF80, v19;
	v19 =	vand.u32 $0x7F, v21;
	v21 =	vadd.s32 v11, v24;
	[tilespmem:s25+$0xFFFFFF30] =	vst v13  }
0x11c: {  	v13 =	vadd.s32 v8, v14;
	v24 =	vld.idx.msk [tilespmem:v17+s13+$0x0], $0xffff;
	v14 =	vand.u32 $0xFFFFFF80, v23;
	v17 =	vor.u32 v19, v21  }
0x11d: {  	v19 =	vld.idx.msk [tilespmem:v12+s13+$0x0], $0xffff;
	v25 =	vor.u32 v22, v13;
	v12 =	vand.u32 $0x7F, v23;
	v13 =	vadd.s32 v6, v14  }
0x11e: {  	s28 =	sadd.s32 $0x1, s26;
	v14 =	vand.u32 $0x7F, v15;
	v15 =	vadd.s32 v4, v16;
	v16 =	vor.u32 v12, v13  }
0x11f: {  	s25 =	sadd.s32 $0x200, s25;
	v13 =	vmov s26;
	v12 =	vmov s28;
	s28 =	sadd.s32 $0x2, s26;
	v23 =	vor.u32 v14, v15  }
.Ltmp4:
0x120: {  	v21 =	vadd.s32 v2, v5;
	v15 =	vadd.s32 v2, v7;
	v14 =	vmov s28;
	[tilespmem:s25+$0x80] =	vst v18;
	(pc) =	sbr.rel @p0 .LBB2_9-.Ltmp4, $4  }
0x121: {  	v22 =	vadd.s32 v2, v10;
	v26 =	vand.u32 $0xFFFFFF80, v15;
	[tilespmem:s25+$0xFFFFFF80] =	vst v20;
	v20 =	vadd.s32 v2, v9;
	v18 =	vld.idx.msk [tilespmem:v17+s13+$0x0], $0xffff  }
0x122: {  	v26 =	vadd.s32 v11, v26;
	v17 =	vld.idx.msk [tilespmem:v25+s13+$0x0], $0xffff;
	v25 =	vand.u32 $0xFFFFFF80, v20;
	[tilespmem:s25+$0x0] =	vst v24;
	v24 =	vand.u32 $0x7F, v15  }
0x123: {  	v20 =	vand.u32 $0x7F, v20;
	[tilespmem:s25+$0xFFFFFF00] =	vst v19;
	v25 =	vadd.s32 v8, v25;
	v15 =	vld.idx.msk [tilespmem:v16+s13+$0x0], $0xffff;
	v19 =	vor.u32 v24, v26  }
0x124: {  	s28 =	sadd.s32 $0x3, s26;
	s26 =	sadd.s32 $0x4, s26;
	v24 =	vand.u32 $0xFFFFFF80, v22;
	v16 =	vld.idx.msk [tilespmem:v23+s13+$0x0], $0xffff;
	v23 =	vand.u32 $0xFFFFFF80, v21;
	v20 =	vor.u32 v20, v25  }
0x125: {  	_ = 	snop  }
0x126: {  	v25 =	vmov s28;
	v22 =	vand.u32 $0x7F, v22  }
0x127: {  	v24 =	vadd.s32 v6, v24;
	v21 =	vand.u32 $0x7F, v21;
	v23 =	vadd.s32 v4, v23  }
0x128: {  	v38 =	vadd.s32 v3, v7;
	v9 =	vadd.s32 v3, v9;
	v10 =	vadd.s32 v3, v10  }
0x129: {  	v26 =	vld.idx.msk [tilespmem:v12+s19+$0x0], $0xffff;
	v5 =	vadd.s32 v3, v5;
	v12 =	vshll.u32 v12, $0x7;
	v22 =	vor.u32 v22, v24  }
0x12a: {  	v21 =	vor.u32 v21, v23;
	v39 =	vand.u32 $0xFFFFFF80, v38;
	v27 =	vand.u32 $0xFFFFFF80, v9  }
0x12b: {  	v7 =	vld.idx.msk [tilespmem:v13+s19+$0x0], $0xffff;
	v23 =	vand.u32 $0x7F, v38;
	v9 =	vand.u32 $0x7F, v9;
	v40 =	vand.u32 $0xFFFFFF80, v10  }
0x12c: {  	v41 =	vand.u32 $0xFFFFFF80, v5;
	v10 =	vand.u32 $0x7F, v10;
	v5 =	vand.u32 $0x7F, v5  }
0x12d: {  	v11 =	vadd.s32 v11, v39;
	v8 =	vadd.s32 v8, v27;
	v42 =	vadd.s32 v6, v40  }
0x12e: {  	v24 =	vld.idx.msk [tilespmem:v14+s19+$0x0], $0xffff;
	v4 =	vadd.s32 v4, v41;
	v11 =	vor.u32 v23, v11;
	v8 =	vor.u32 v9, v8  }
0x12f: {  	v6 =	vor.u32 v10, v42;
	v10 =	vshll.u32 v13, $0x7;
	v4 =	vor.u32 v5, v4  }
0x130: {  	v13 =	vshll.u32 v14, $0x7;
	v43 =	vadd.s32 v0, v7;
	v44 =	vadd.s32 v0, v26  }
0x131: {  	v23 =	vld.idx.msk [tilespmem:v25+s19+$0x0], $0xffff;
	v25 =	vshll.u32 v25, $0x7;
	v50 =	vadd.s32 v1, v7;
	v51 =	vadd.s32 v1, v26  }
0x132: {  	v63 =	vadd.s32 v2, v7;
	v34 =	vadd.s32 v2, v26;
	v5 =	vand.u32 $0xFFFFFF80, v43  }
0x133: {  	v45 =	vadd.s32 v0, v24;
	v29 =	vand.u32 $0x7F, v44;
	v14 =	vand.u32 $0xFFFFFF80, v44  }
0x134: {  	v9 =	vand.u32 $0x7F, v43;
	v52 =	vand.u32 $0xFFFFFF80, v50;
	v54 =	vand.u32 $0x7F, v51  }
0x135: {  	v14 =	vadd.s32 v12, v14;
	v31 =	vand.u32 $0xFFFFFF80, v45;
	v46 =	vand.u32 $0x7F, v45  }
0x136: {  	v14 =	vor.u32 v29, v14;
	v47 =	vadd.s32 v13, v31;
	v28 =	vadd.s32 v0, v23  }
0x137: {  	[tilespmem:s25+$0x90] =	vst v18;
	v5 =	vadd.s32 v10, v5;
	v18 =	vor.u32 v46, v47;
	v30 =	vand.u32 $0xFFFFFF80, v28  }
0x138: {  	[tilespmem:s25+$0xFFFFFF90] =	vst v17;
	v48 =	vld.idx.msk [tilespmem:v19+s13+$0x0], $0xffff;
	v5 =	vor.u32 v9, v5;
	v28 =	vand.u32 $0x7F, v28;
	v30 =	vadd.s32 v25, v30  }
0x139: {  	v49 =	vld.idx.msk [tilespmem:v20+s13+$0x0], $0xffff;
	[tilespmem:s25+$0x10] =	vst v15;
	v55 =	vadd.s32 v1, v24;
	v20 =	vand.u32 $0xFFFFFF80, v51;
	v28 =	vor.u32 v28, v30  }
0x13a: {  	v57 =	vld.idx.msk [tilespmem:v22+s13+$0x0], $0xffff;
	v35 =	vadd.s32 v2, v24;
	v37 =	vand.u32 $0xFFFFFF80, v34;
	v20 =	vadd.s32 v12, v20  }
0x13b: {  	v61 =	vand.u32 $0xFFFFFF80, v55;
	v15 =	vand.u32 $0x7F, v55;
	v27 =	vadd.s32 v10, v52;
	v14 =	vld.idx.msk [tilespmem:v14+s13+$0x0], $0xffff  }
0x13c: {  	v62 =	vadd.s32 v13, v61;
	v20 =	vor.u32 v54, v20;
	v53 =	vadd.s32 v1, v23;
	v18 =	vld.idx.msk [tilespmem:v18+s13+$0x0], $0xffff  }
0x13d: {  	[tilespmem:s25+$0xFFFFFF10] =	vst v16;
	v9 =	vand.u32 $0x7F, v50;
	v15 =	vor.u32 v15, v62;
	v56 =	vand.u32 $0xFFFFFF80, v53;
	v5 =	vld.idx.msk [tilespmem:v5+s13+$0x0], $0xffff  }
0x13e: {  	[tilespmem:s25+$0xA0] =	vst v48;
	v9 =	vor.u32 v9, v27;
	v58 =	vand.u32 $0x7F, v53;
	v59 =	vadd.s32 v25, v56;
	v60 =	vld.idx.msk [tilespmem:v28+s13+$0x0], $0xffff  }
0x13f: {  	s26 =	sadd.s32 $0x200, s25;
	v38 =	vld.idx.msk [tilespmem:v21+s13+$0x0], $0xffff;
	v43 =	vand.u32 $0xFFFFFF80, v63;
	v19 =	vand.u32 $0x7F, v63;
	[tilespmem:s25+$0xFFFFFFA0] =	vst v49;
	v22 =	vor.u32 v58, v59  }
0x140: {  	v51 =	vadd.s32 v3, v26;
	v42 =	vadd.s32 v12, v37;
	v48 =	vadd.s32 v10, v43;
	[tilespmem:s26+$0xFFFFFF80] =	vst v14  }
0x141: {  	v46 =	vand.u32 $0xFFFFFF80, v35;
	v33 =	vadd.s32 v2, v23;
	v28 =	vand.u32 $0x7F, v34;
	[tilespmem:s26+$0x0] =	vst v18;
	v44 =	vld.idx.msk [tilespmem:v20+s13+$0x0], $0xffff  }
0x142: {  	v16 =	vand.u32 $0x7F, v35;
	v47 =	vadd.s32 v13, v46;
	[tilespmem:s26+$0xFFFFFF00] =	vst v5;
	v45 =	vor.u32 v28, v42;
	v5 =	vld.idx.msk [tilespmem:v15+s13+$0x0], $0xffff  }
0x143: {  	v52 =	vadd.s32 v3, v24;
	v36 =	vand.u32 $0xFFFFFF80, v33;
	v9 =	vld.idx.msk [tilespmem:v9+s13+$0x0], $0xffff;
	v15 =	vor.u32 v16, v47;
	[tilespmem:s26+$0x80] =	vst v60  }
0x144: {  	v49 =	vor.u32 v19, v48;
	[tilespmem:s25+$0x20] =	vst v57;
	v39 =	vand.u32 $0x7F, v33;
	v40 =	vadd.s32 v25, v36;
	v41 =	vld.idx.msk [tilespmem:v22+s13+$0x0], $0xffff  }
0x145: {  	v17 =	vand.u32 $0x7F, v51;
	v11 =	vld.idx.msk [tilespmem:v11+s13+$0x0], $0xffff;
	v50 =	vadd.s32 v3, v23;
	[tilespmem:s25+$0xFFFFFF20] =	vst v38;
	v21 =	vor.u32 v39, v40  }
0x146: {  	v61 =	vand.u32 $0x7F, v52;
	v8 =	vld.idx.msk [tilespmem:v8+s13+$0x0], $0xffff;
	v23 =	vand.u32 $0xFFFFFF80, v50;
	v53 =	vand.u32 $0xFFFFFF80, v51;
	[tilespmem:s26+$0xFFFFFF90] =	vst v44  }
0x147: {  	v12 =	vadd.s32 v12, v53;
	v58 =	vand.u32 $0xFFFFFF80, v52;
	v56 =	vld.idx.msk [tilespmem:v45+s13+$0x0], $0xffff;
	[tilespmem:s26+$0x10] =	vst v5;
	v5 =	vadd.s32 v3, v7  }
0x148: {  	v57 =	vor.u32 v17, v12;
	v12 =	vadd.s32 v13, v58;
	[tilespmem:s26+$0xFFFFFF10] =	vst v9;
	v59 =	vld.idx.msk [tilespmem:v15+s13+$0x0], $0xffff;
	v60 =	vand.u32 $0xFFFFFF80, v5  }
0x149: {  	v12 =	vor.u32 v61, v12;
	v62 =	vld.idx.msk [tilespmem:v49+s13+$0x0], $0xffff;
	v5 =	vand.u32 $0x7F, v5;
	v10 =	vadd.s32 v10, v60;
	[tilespmem:s26+$0x90] =	vst v41  }
0x14a: {  	v19 =	vand.u32 $0x7F, v50;
	v23 =	vadd.s32 v25, v23;
	[tilespmem:s25+$0xB0] =	vst v11;
	v5 =	vor.u32 v5, v10;
	v54 =	vld.idx.msk [tilespmem:v21+s13+$0x0], $0xffff  }
0x14b: {  	v6 =	vld.idx.msk [tilespmem:v6+s13+$0x0], $0xffff;
	v55 =	vor.u32 v19, v23;
	[tilespmem:s25+$0xFFFFFFB0] =	vst v8  }
0x14c: {  	v4 =	vld.idx.msk [tilespmem:v4+s13+$0x0], $0xffff;
	[tilespmem:s26+$0xFFFFFFA0] =	vst v56  }
0x14d: {  	v7 =	vld.idx.msk [tilespmem:v57+s13+$0x0], $0xffff;
	[tilespmem:s26+$0x20] =	vst v59  }
0x14e: {  	[tilespmem:s26+$0xFFFFFF20] =	vst v62;
	v9 =	vld.idx.msk [tilespmem:v12+s13+$0x0], $0xffff  }
0x14f: {  	v5 =	vld.idx.msk [tilespmem:v5+s13+$0x0], $0xffff;
	[tilespmem:s26+$0xA0] =	vst v54  }
0x150: {  	s23 =	sadd.s32 $0x1, s23;
	[tilespmem:s25+$0x30] =	vst v6;
	v63 =	vld.idx.msk [tilespmem:v55+s13+$0x0], $0xffff  }
0x151: {  	p0 =	sne.s32 s23, $0x64;
	[tilespmem:s25+$0xFFFFFF30] =	vst v4  }
.Ltmp5:
0x152: {  	s24 =	sshll.u32 s24, $0xE;
	[tilespmem:s26+$0xFFFFFFB0] =	vst v7;
	(pc) =	sbr.rel @p0 .LBB2_2-.Ltmp5, $4  }
0x153: {  	s24 =	sadd.s32 s6, s24;
	[tilespmem:s26+$0x30] =	vst v9  }
0x154: {  	s24 =	sshrl.u32 s24, $0x3;
	[tilespmem:s26+$0xFFFFFF30] =	vst v5  }
0x155: {  	s24 =	sadd.s32 s4, s24;
	[tilespmem:s26+$0xB0] =	vst v63  }
0x156: {  	[hbm4b:s24+s2] =	stream.linear.scatter [tilespmem:s20], [sflag:$0x4], $0x4000, $0x38;
	[tilespmem:$0x16600] =	vst v63  }
0x157: {  	s22 =	sadd.s32 $0x1, s22  }
0x158: {  	_ =	swait.ge [sflag:s21], $0x4000;
	p0 =	sne.s32 s22, s7  }
.Ltmp6:
0x159: {  	[sflag:s21] =	ssyncset.done $0x0;
	(pc) =	sbr.rel @p0 .LBB2_1-.Ltmp6, $4  }
0x15a: {  	[sflag:s21] =	ssyncadd.s32 $0xFFFFC000  }
0x15b: {  	_ =	swait.ge [sflag:s18], $0x4000  }
0x15c: {  	[sflag:s18] =	ssyncset.done $0x0  }
0x15d: {  	[sflag:s18] =	ssyncadd.s32 $0xFFFFC000  }
0x15e: {  	_ =	sfence.sel $0x180000  }
0x15f: {  	[bflag:$0x0] =	sbarrier.arrive $0xFFFF  }
0x160: {  	p0 =	sne.s32 s1, $0x0;
	_ =	strace $0x90000047  }
0x161: {  	s0 =	sadd.s32 @!p0 $0x100000, s0;
	[bflag:$0x2] =	sbarrier.arrive $0xFFFF  }
0x162: {  	[sflag:s0] =	ssyncadd.tile.s32 @!p0 $0x1;
	_ =	shalt  }
.Lfunc_end2:
_tile_overlayer_lowered:
.L_overlay_start_2:
0x163: {  	(tag) =	ssettag $0x2  }
0x164: {  	s0 =	rddreg [dreg:$0x0];
	s2 =	stileid.u32  }
0x165: {  	s1 =	rddreg [dreg:$0x1];
	p0 =	sne.s32 s2, $0x0  }
0x166: {  	s3 =	rddreg [dreg:$0x2];
	[bflag:$0x3] =	sbarrier.arrive $0xFFFF;
	s2 =	simm.s32 @!p0 $0x1C05  }
0x167: {  	[timem:s3], [sflag:s2] =	dma.local @!p0 [hbm:s0], s1  }
0x168: {  	s0 =	simm.s32 @!p0 $0x5  }
0x169: {  	_ =	swait.ge @!p0 [sflag:s0], s1  }
0x16a: {  	s1 =	ssub.s32 @!p0 $0x0, s1;
	[sflag:s0] =	ssyncset.done @!p0 $0x0  }
0x16b: {  	[sflag:s0] =	ssyncadd.s32 @!p0 s1  }
0x16c: {  	[bflag:$0x3] =	sbarrier.arrive $0xFFFF  }
0x16d: {  	_ =	shalt  }

// kernel: sparse-core-data-format-call.cloned.1.call-start
scs
called_computation_lowered:
.L_overlay_start_0:
0x0: {  	s2 =	sld [smem:$0x3FD9]  }
0x1: {  	s3 =	sld [smem:$0x3FFE];
	_ =	sdelay $0x1  }
0x2: {  	s1 =	srdreg.scid  }
0x3: {  	s0 =	sand.u32 $0x1, s1  }
0x4: {  	s18 =	sshll.u32 s0, $0xA;
	s2 =	sadd.s32 s3, s2  }
0x5: {  	s2 =	sadd.s32 s2, s18  }
0x6: {  	[smem:$0x3FC6] =	sst s2  }
0x7: {  	_ = 	snop  }
0x8: {  	s2 =	sld [smem:$0x3FD0];
	(tm) =	ssettm $0x1  }
0x9: {  	s19 =	sld [smem:$0x3FFB];
	_ =	sdelay $0x3  }
0xa: {  	_ =	strace s19  }
0xb: {  	s3 =	sld [smem:$0x3FFC];
	_ =	sdelay $0x3  }
0xc: {  	_ =	strace s3  }
0xd: {  	s3 =	sld [smem:$0x3FFD];
	_ =	sdelay $0x3  }
0xe: {  	_ =	strace s3  }
0xf: {  	_ =	strace $0x8FFFFFFF  }
0x10: {  	s20 =	sld [smem:$0x3FDB];
	_ =	sdelay $0x1  }
0x11: {  	s4 =	simm.s32 $_scs_section_size  }
0x12: {  	s5 =	simm.s32 $_size__tile_overlayer_lowered;
	s6 =	simm.s32 $_tile_overlayer_lowered  }
0x13: {  	s23 =	simm.s32 $0x1BFF;
	s22 =	sshll.u32 s6, $0x1;
	s3 =	sadd.s32 s4, s20  }
0x14: {  	s7 =	simm.s32 $0x0;
	s21 =	sshll.u32 s5, $0x1;
	s5 =	sadd.s32 s22, s3  }
0x15: {  	[timem:s7], [sflag:s23] =	dma.local [hbm:s5], s21  }
0x16: {  	_ =	swait.ge [sflag:s23], s21  }
0x17: {  	s4 =	ssub.s32 $0x0, s21;
	[sflag:s23] =	ssyncset.done $0x0  }
0x18: {  	[sflag:s23] =	ssyncadd.s32 s4;
	_ =	sdelay $0x1  }
0x19: {  	s24 =	simm.s32 $0x1B8B  }
0x1a: {  	_ =	swait.ge [sflag:s24], $0x1  }
0x1b: {  	[sflag:s24] =	ssyncset.done $0x0  }
0x1c: {  	s26 =	simm.s32 $0x1B8E;
	s25 =	sld [smem:$0x3FFE];
	[sflag:s24] =	ssyncadd.s32 $0xFFFFFFFF  }
0x1d: {  	s27 =	simm.s32 $execute0_lowered;
	[smem:$0x3FD2] =	sst s26  }
0x1e: {  	s5 =	sshll.u32 s27, $0x1;
	_ =	strace $0x80000049;
	[dreg:$0x1] =	wrdreg $0xFFFFFFFF  }
0x1f: {  	s28 =	simm.s32 $_size_execute0_lowered;
	s3 =	sadd.s32 s3, s5;
	[dreg:$0x0] =	wrdreg $0x0  }
0x20: {  	s5 =	sshll.u32 s28, $0x1;
	[dreg:$0x2] =	wrdreg s3  }
0x21: {  	[dreg:$0x3] =	wrdreg s5  }
0x22: {  	[dreg:$0x4] =	wrdreg $0xC0  }
0x23: {  	_ =	task [dreg:s7], $0x5FFFF  }
0x24: {  	[dreg:$0x1] =	wrdreg $0xFFFFFFFF  }
0x25: {  	[dreg:$0x0] =	wrdreg $0x60  }
0x26: {  	[dreg:$0x2] =	wrdreg s25  }
0x27: {  	[dreg:$0x3] =	wrdreg s2  }
0x28: {  	[dreg:$0x4] =	wrdreg $0x9  }
0x29: {  	_ =	task.clear_ibuf [dreg:s7], $0x5FFFF;
	_ =	strace $0x90000049  }
0x2a: {  	s29 =	simm.s32 $0x9;
	_ =	strace $0x8000004B  }
0x2b: {  	_ =	swait.ge [sflag:s29], $0x1  }
0x2c: {  	[sflag:s29] =	ssyncadd.s32 $0xFFFFFFFF  }
0x2d: {  	_ =	strace $0x9000004B  }
0x2e: {  	_ =	sfence  }
0x2f: {  	s30 =	sld [smem:$0x0];
	_ =	sdelay $0x2  }
0x30: {  	s31 =	sshll.u32 s1, $0xD;
	s1 =	sshrl.u32 s1, $0x2  }
0x31: {  	s3 =	sand.u32 $0x4000, s31;
	s1 =	sadd.s32 s1, s30  }
0x32: {  	s0 =	sor.u32 s3, s0;
	s1 =	sshll.u32 s1, $0x11  }
0x33: {  	s0 =	sor.u32 s1, s0  }
0x34: {  	s0 =	sadd.s32 $0x8F2B, s0  }
0x35: {  	[sflag:s0] =	ssyncadd.remote.s32 $0x1  }
0x36: {  	_ =	sfence.sel $0xFFFF  }
0x37: {  	[dreg:$0x0] =	wrdreg $0xFFFFFFFF;
	(pc) =	sbr.abs _section_cstart, $3  }
0x38: {  	[dreg:$0x1] =	wrdreg $0xFFFFFFFF  }
0x39: {  	_ =	task.clear_ibuf [dreg:s7], $0x2FFFF;
	_ =	strace $0x9FFFFFFF  }
0x3a: {  	(tm) =	ssettm $0x7FFFFFFF  }
0x3b: {  	_ =	shalt  }
tec
execute0_lowered:
.L_overlay_start_1:
0x0: {  	(tag) =	ssettag $0x1  }
0x1: {  	s0 =	srdreg.scid  }
0x2: {  	s1 =	sshll.u32 s0, $0x4  }
0x3: {  	s0 =	stileid.u32;
	s1 =	sand.u32 $0x10, s1  }
0x4: {  	s1 =	sor.u32 s0, s1  }
0x5: {  	s6 =	rddreg [dreg:$0x0];
	s4 =	simm.s32 $0x1;
	s2 =	sshll.u32 s1, $0x7  }
0x6: {  	s7 =	simm.s32 $0x2;
	s12 =	simm.s32 $0x0;
	s1 =	ssub.s32 $0x1000, s2  }
0x7: {  	s8 =	simm.s32 $0x8000;
	s13 =	simm.s32 $0x0;
	s3 =	sand.u32 $0xF80, s1  }
0x8: {  	s9 =	simm.s32 $0x0;
	s5 =	sshrl.u32 s1, $0xC;
	p0 =	sne.s32 s3, $0x0  }
.Ltmp0:
0x9: {  	s1 =	rddreg [dreg:$0x2];
	s4 =	simm.s32 @!p0 $0x0;
	(pc) =	sbr.rel .LBB1_1-.Ltmp0, $4  }
0xa: {  	s11 =	simm.s32 $0x0;
	s3 =	rddreg [dreg:$0x1];
	s5 =	sadd.s32 s4, s5  }
0xb: {  	_ =	strace $0x8000004A;
	s4 =	simm.s32 $0x1;
	s5 =	smul.u32 $0xC8, s5  }
0xc: {  	s6 =	sadd.s32 $0xA00, s6;
	s10 =	smov.u32 s2;
	[sflag:s4] =	ssyncpa.u1 $0x0  }
0xd: {  	p0 =	por $0x0, $0x0;
	[sflag:s7] =	ssyncpa.u1 $0x0;
	s7 =	sor.u32 $0x1, s5  }
.LBB1_4:
0xe: {  	s16 =	sshll.u32 s13, $0x3;
	s17 =	sand.u32 $0x78, s13  }
0xf: {  	s30 =	sand.u32 $0x7E00, s13;
	s12 =	sshll.u32 s12, $0xF;
	s16 =	sand.u32 $0xC00, s16  }
0x10: {  	[tilespmem:s15+$0x810 ss:$0x81] =	vst.msk $0xffff, v2;
	s31 =	sand.u32 $0x7, s13;
	s16 =	sor.u32 s17, s16;
	s17 =	sadd.s32 s3, s30  }
0x11: {  	[tilespmem:s15+$0x1020 ss:$0x81] =	vst.msk $0xffff, v0;
	s13 =	sshll.u32 s31, $0x12;
	s12 =	sadd.s32 s12, s17;
	s16 =	sshrl.u32 s16, $0x3  }
0x12: {  	[tilespmem:s15+$0x0 ss:$0x81] =	vst.msk $0xffff, v1;
	s13 =	sor.u32 $0x400, s13;
	s12 =	sadd.s32 s16, s12  }
0x13: {  	[hbm4b:s12+s13] =	stream.strided.scatter [tilespmem:s14], [sflag:$0x2], $0x2000, s8, s13, $0x20;
	[tilespmem:$0x8080] =	vst v63  }
.LBB1_5:
0x14: {  	s14 =	sadd.s32 $0x1, s9  }
0x15: {  	s12 =	sadd.s32 $0x1000, s10;
	s16 =	smov.u32 s10;
	p2 =	sgt.s32 s14, $0xC7  }
0x16: {  	s16 =	smov.u32 @p2 s12  }
0x17: {  	s14 =	simm.s32 @p2 $0x0;
	p2 =	sgt.s32 s16, $0xFFF  }
0x18: {  	s16 =	smov.u32 @p2 s2;
	p2 =	sne.s32 s11, s7  }
.Ltmp1:
0x19: {  	p1 =	slt.u32 s11, $0x2;
	(pc) =	sbr.rel @!p2 .LBB1_6-.Ltmp1, $4  }
0x1a: {  	s15 =	simm.s32 @!p1 $0x2  }
0x1b: {  	s13 =	smov.u32 s10;
	p0 =	por !p0, !p0;
	_ =	swait.ge @!p1 [sflag:s15], $0x2000  }
0x1c: {  	s12 =	smov.u32 s9;
	[sflag:s15] =	ssyncset.done @!p1 $0x0;
	s9 =	smov.u32 s14  }
0x1d: {  	s11 =	sadd.s32 $0x1, s11;
	[sflag:s15] =	ssyncadd.s32 @!p1 $0xFFFFE000;
	s10 =	smov.u32 s16  }
.LBB1_1:
0x1e: {  	p1 =	sge.u32 s11, s5  }
0x1f: {  	s14 =	sand.u32 @!p1 $0x1FFFFFF, s9  }
0x20: {  	s15 =	smulhi.u32 @!p1 $0x147AE15, s14;
	_ =	sdelay $0x1  }
0x21: {  	s15 =	smul.u32 @!p1 $0xC8, s15  }
0x22: {  	s16 =	sxor.u32 @!p1 $0xFFFFFFFF, s11;
	s17 =	smul.u32 @!p1 $0xC80, s10  }
0x23: {  	s31 =	sadd.s32 $0xFFFFFFFF, s11;
	s16 =	sshll.u32 @!p1 s16, $0xD;
	s14 =	ssub.s32 @!p1 s14, s15  }
0x24: {  	s15 =	sand.u32 @!p1 $0x2000, s16;
	s16 =	sadd.s32 @!p1 s6, s17;
	s14 =	sshll.u32 @!p1 s14, $0x4  }
0x25: {  	s17 =	simm.s32 @!p1 $0x6400;
	s14 =	sadd.s32 @!p1 s14, s16;
	s16 =	simm.s32 @!p1 $0x40  }
0x26: {  	[tilespmem:s15], [sflag:$0x1] =	stream.strided.gather @!p1 [hbm4b:s14+s16], $0x2000, s17, s16, $0x38;
	[tilespmem:$0x8080] =	vst v63  }
0x27: {  	p1 =	sge.u32 s31, s5  }
.Ltmp2:
0x28: {  	_ = 	snop;
	(pc) =	sbr.rel @p1 .LBB1_5-.Ltmp2, $1  }
0x29: {  	_ =	sdelay $0x3  }
0x2a: {  	s14 =	simm.s32 $0x1  }
0x2b: {  	_ =	swait.ge [sflag:s4], $0x2000;
	s14 =	simm.s32 @!p0 $0x0  }
0x2c: {  	[sflag:s4] =	ssyncset.done $0x0;
	s15 =	sshll.u32 s14, $0xD  }
0x2d: {  	[sflag:s4] =	ssyncadd.s32 $0xFFFFE000;
	s18 =	sor.u32 $0x20, s15  }
0x2e: {  	s14 =	smul.u32 $0x8100, s14;
	v3 =	vld [tilespmem:s18+$0x10]  }
0x2f: {  	s30 =	sand.u32 $0x1, s11;
	v2 =	vld [tilespmem:s18+$0xFFFFFFF0]  }
0x30: {  	s15 =	smul.u32 $0x8100, s30;
	s14 =	sshrl.u32 s14, $0x2;
	v0 =	vld [tilespmem:s18+$0x0]  }
0x31: {  	v1 =	vld [tilespmem:s18+$0xFFFFFFE0];
	s16 =	sor.u32 $0x4000, s14  }
0x32: {  	s31 =	sshrl.u32 s15, $0x2;
	s15 =	sadd.s32 $0x0, s16  }
0x33: {  	s17 =	simm.s32 $0x4;
	s18 =	sadd.s32 $0x40, s18;
	s14 =	sor.u32 $0x4000, s31;
	[tilespmem:s15+$0x1830 ss:$0x81] =	vst.msk $0xffff, v3  }
.LBB1_3:
0x34: {  	v3 =	vld [tilespmem:s18+$0x10];
	p1 =	sne.s32 s17, $0x1FC;
	[tilespmem:s15+$0x810 ss:$0x81] =	vst.msk $0xffff, v2;
	s19 =	smov.u32 s17;
	s17 =	sadd.s32 $0x4, s17  }
.Ltmp3:
0x35: {  	v2 =	vld [tilespmem:s18+$0xFFFFFFF0];
	[tilespmem:s15+$0x1020 ss:$0x81] =	vst.msk $0xffff, v0;
	(pc) =	sbr.rel @p1 .LBB1_3-.Ltmp3, $4  }
0x36: {  	v0 =	vld [tilespmem:s18+$0x0];
	[tilespmem:s15+$0x0 ss:$0x81] =	vst.msk $0xffff, v1  }
0x37: {  	s15 =	sshra.s32 s19, $0x2;
	v1 =	vld [tilespmem:s18+$0xFFFFFFE0]  }
0x38: {  	s15 =	sadd.s32 s15, s16  }
0x39: {  	s18 =	sadd.s32 $0x40, s18;
	[tilespmem:s15+$0x1830 ss:$0x81] =	vst.msk $0xffff, v3  }
.Ltmp4:
0x3a: {  	_ = 	snop;
	(pc) =	sbr.rel .LBB1_4-.Ltmp4, $1  }
0x3b: {  	_ =	sdelay $0x3  }
.LBB1_6:
0x3c: {  	_ =	sfence.sel $0x180000  }
0x3d: {  	s2 =	simm.s32 $0x1;
	[bflag:$0x0] =	sbarrier.arrive $0xFFFF  }
0x3e: {  	s31 =	simm.s32 $0x2;
	[sflag:s2] =	ssyncpa.u1 $0x1  }
0x3f: {  	[sflag:s31] =	ssyncpa.u1 $0x1  }
0x40: {  	p0 =	sne.s32 s0, $0x0;
	_ =	strace $0x9000004A  }
0x41: {  	s0 =	sadd.s32 @!p0 $0x100000, s1;
	[bflag:$0x2] =	sbarrier.arrive $0xFFFF  }
0x42: {  	[sflag:s0] =	ssyncadd.tile.s32 @!p0 $0x1;
	_ =	shalt  }
.Lfunc_end1:
_tile_overlayer_lowered:
.L_overlay_start_2:
0x43: {  	(tag) =	ssettag $0x2  }
0x44: {  	s0 =	rddreg [dreg:$0x0];
	s2 =	stileid.u32  }
0x45: {  	s1 =	rddreg [dreg:$0x1];
	p0 =	sne.s32 s2, $0x0  }
0x46: {  	s3 =	rddreg [dreg:$0x2];
	[bflag:$0x3] =	sbarrier.arrive $0xFFFF;
	s2 =	simm.s32 @!p0 $0x1C01  }
0x47: {  	[timem:s3], [sflag:s2] =	dma.local @!p0 [hbm:s0], s1  }
0x48: {  	s0 =	simm.s32 @!p0 $0x1  }
0x49: {  	_ =	swait.ge @!p0 [sflag:s0], s1  }
0x4a: {  	s1 =	ssub.s32 @!p0 $0x0, s1;
	[sflag:s0] =	ssyncset.done @!p0 $0x0  }
0x4b: {  	[sflag:s0] =	ssyncadd.s32 @!p0 s1  }
0x4c: {  	[bflag:$0x3] =	sbarrier.arrive $0xFFFF  }
0x4d: {  	_ =	shalt  }

</sc_bundles>
